<compile_context>
chip_gen: v7x
topology: tpu7x:2x2x1
jax: 0.10.2.dev20260603
libtpu: 0.0.44.dev20260713+nightly
codegen_flags: <defaults>
</compile_context>

<pallas_src>
import functools

import jax
import jax.numpy as jnp
import numpy as np
from jax import lax
from jax.experimental import pallas as pl
from jax.experimental.pallas import tpu as pltpu
from jax.experimental.pallas import tpu_sc as plsc

N = 10000
B = 100
E = 160000
F = 128
MAXZ = 87
K = 20
NCONV = 3
RCUT = 5.0
GAMMA = 0.5

_CHUNK = 128
_NW = 32
_BE = 3200
_BN = 2000
_EH = E // 2

from math import lgamma as _lgamma

_LOGBIN = [_lgamma(K) - _lgamma(k + 1.0) - _lgamma(K - k) for k in range(K)]


def _f32(x):
    return x.astype(jnp.float32)



def _mesh():
    return plsc.VectorSubcoreMesh(core_axis_name="c", subcore_axis_name="s")


_GRP = 5


@functools.partial(jax.jit, static_argnames=("ncols",))
def _sc_gather(tbl, idx, ncols):
    M = idx.shape[0]
    dt = tbl.dtype
    nch = M // _CHUNK
    ngr = nch // _GRP
    gpw = (ngr + _NW - 1) // _NW
    grows = _GRP * _CHUNK
    idx2 = idx.reshape(nch, _CHUNK)

    def body(tbl_hbm, idx_hbm, out_hbm, idx_v, rows_v, semi, semg):
        wid = lax.axis_index("s") * 2 + lax.axis_index("c")

        def it(i, carry):
            gr = i * _NW + wid

            @pl.when(gr < ngr)
            def _():
                di = [pltpu.async_copy(idx_hbm.at[gr * _GRP + j],
                                       idx_v.at[j], semi)
                      for j in range(_GRP)]
                for dsc in di:
                    dsc.wait()
                descs = [pltpu.async_copy(
                    tbl_hbm.at[idx_v.at[j]],
                    rows_v.at[pl.ds(j * _CHUNK, _CHUNK)], semg)
                    for j in range(_GRP)]
                for dsc in descs:
                    dsc.wait()
                pltpu.sync_copy(rows_v, out_hbm.at[pl.ds(gr * grows, grows)])
            return carry

        lax.fori_loop(0, gpw, it, 0)

    return pl.kernel(
        body,
        out_type=jax.ShapeDtypeStruct((M, ncols), dt),
        mesh=_mesh(),
        scratch_types=[
            pltpu.VMEM((_GRP, _CHUNK), jnp.int32),
            pltpu.VMEM((grows, ncols), dt),
            pltpu.SemaphoreType.DMA,
            pltpu.SemaphoreType.DMA,
        ],
        compiler_params=pltpu.CompilerParams(use_tc_tiling_on_sc=(ncols % 128 == 0)),
    )(tbl, idx2)


@functools.partial(jax.jit, static_argnames=("nrows",))
def _sc_scatter_add(payload, idx, nrows):
    M, D = payload.shape
    nch = M // _CHUNK
    grp = _GRP if D <= 32 else (2 if nch % 2 == 0 else 1)
    ngr = nch // grp
    half = (ngr + 1) // 2
    niter = (half + 15) // 16
    grows = grp * _CHUNK
    nrows_pad = ((nrows + 127) // 128) * 128
    rows_sub = nrows_pad // 16
    zeros = jnp.zeros((nrows_pad, D), jnp.float32)
    idx2 = idx.reshape(nch, _CHUNK)

    def body(pay_hbm, idx_hbm, zeros_hbm, out_hbm, idx_v, rows_v, acc_sh,
             semi, semp, sema):
        cid = lax.axis_index("c")
        sid = lax.axis_index("s")
        r0 = sid * rows_sub
        pltpu.sync_copy(zeros_hbm.at[pl.ds(r0, rows_sub)],
                        acc_sh.at[pl.ds(r0, rows_sub)])
        plsc.subcore_barrier()

        def it(i, carry):
            gr = cid * half + i * 16 + sid

            @pl.when((i * 16 + sid < half) & (gr < ngr))
            def _():
                di = [pltpu.async_copy(idx_hbm.at[gr * grp + j],
                                       idx_v.at[j], semi)
                      for j in range(grp)]
                dp = pltpu.async_copy(pay_hbm.at[pl.ds(gr * grows, grows)],
                                      rows_v, semp)
                for dsc in di:
                    dsc.wait()
                dp.wait()
                descs = [pltpu.async_copy(
                    rows_v.at[pl.ds(j * _CHUNK, _CHUNK)],
                    acc_sh.at[idx_v.at[j]], sema, add=True)
                    for j in range(grp)]
                for dsc in descs:
                    dsc.wait()
            return carry

        lax.fori_loop(0, niter, it, 0)
        plsc.subcore_barrier()
        pltpu.sync_copy(acc_sh.at[pl.ds(r0, rows_sub)],
                        out_hbm.at[cid, pl.ds(r0, rows_sub)])

    out = pl.kernel(
        body,
        out_type=jax.ShapeDtypeStruct((2, nrows_pad, D), jnp.float32),
        mesh=_mesh(),
        scratch_types=[
            pltpu.VMEM((grp, _CHUNK), jnp.int32),
            pltpu.VMEM((grows, D), jnp.float32),
            pltpu.VMEM_SHARED((nrows_pad, D), jnp.float32),
            pltpu.SemaphoreType.DMA,
            pltpu.SemaphoreType.DMA,
            pltpu.SemaphoreType.DMA,
        ],
        compiler_params=pltpu.CompilerParams(use_tc_tiling_on_sc=(D % 128 == 0)),
    )(payload, idx2, zeros)
    return out[:, :nrows]



def _dot(a, b, dims):
    return lax.dot_general(a, b, (dims, ((), ())),
                           preferred_element_type=jnp.float32)


def _silu(h):
    return h * jax.nn.sigmoid(h)


def _silu_prime(h):
    s = jax.nn.sigmoid(h)
    return s * (1.0 + h * (1.0 - s))


def _edge_geom(t2, validf):
    neb = E // _BE

    def body(ts_ref, td_ref, va_ref, geo_ref, bas_ref):
        ts = ts_ref[...]
        td = td_ref[...]
        va = va_ref[...][0, 0]
        lane = lax.broadcasted_iota(jnp.int32, (1, 16), 1)
        m3 = (lane < 3).astype(jnp.float32)
        e3 = (lane == 3).astype(jnp.float32)
        dr = (td - ts) * m3
        d = jnp.sqrt(jnp.sum(dr * dr, axis=1) + 1e-12)
        zz = jnp.sum(ts * e3, axis=1) * jnp.sum(td * e3, axis=1)
        inside = (d < RCUT).astype(jnp.float32) * va
        fc = 0.5 * (jnp.cos(jnp.pi * d / RCUT) + 1.0) * inside
        fcp = -0.5 * (jnp.pi / RCUT) * jnp.sin(jnp.pi * d / RCUT) * inside
        u = jnp.exp(-GAMMA * d)
        c1u = jnp.clip(1.0 - u, 1e-10, 1.0)
        lu = jnp.log(jnp.clip(u, 1e-10, 1.0))
        l1u = jnp.log(c1u)
        urat = u / c1u
        zero = jnp.zeros_like(d)
        geo_ref[...] = jnp.concatenate(
            [v[None, :] for v in (d, fc, fcp, lu, l1u, urat, zz, zero)], axis=0)
        rows = [jnp.exp(_LOGBIN[k] + k * lu + (K - 1.0 - k) * l1u) * fc
                for k in range(K)] + [zero] * (32 - K)
        bas_ref[...] = jnp.concatenate([v[None, :] for v in rows], axis=0)

    return pl.pallas_call(
        body,
        grid=(neb,),
        in_specs=[pl.BlockSpec((_BE, 16), lambda i: (i, 0)),
                  pl.BlockSpec((_BE, 16), lambda i: (i + neb, 0)),
                  pl.BlockSpec((1, 1, _BE), lambda i: (i, 0, 0))],
        out_specs=[pl.BlockSpec((8, _BE), lambda i: (0, i)),
                   pl.BlockSpec((32, _BE), lambda i: (0, i))],
        out_shape=[jax.ShapeDtypeStruct((8, E), jnp.float32),
                   jax.ShapeDtypeStruct((32, E), jnp.float32)],
    )(t2, t2, validf.reshape(neb, 1, _BE))


_NHB = _EH // _BE
_EHP = _EH + _CHUNK


def _msg(basT, xe, wg, boff, xoff):

    def body(bas_ref, xe_ref, wg_ref, out_ref):
        g = _dot(bas_ref[...], wg_ref[...], ((0,), (0,)))
        out_ref[...] = _f32(xe_ref[...]) * g

    return pl.pallas_call(
        body,
        grid=(_NHB,),
        in_specs=[pl.BlockSpec((32, _BE), lambda i: (0, i + boff)),
                  pl.BlockSpec((_BE, F), lambda i: (i + xoff, 0)),
                  pl.BlockSpec((32, F), lambda i: (0, 0))],
        out_specs=pl.BlockSpec((_BE, F), lambda i: (i, 0)),
        out_shape=jax.ShapeDtypeStruct((_EHP, F), jnp.float32),
    )(basT, xe, wg)


def _node(x, m0, m1, f_in, w1, w2, wo):

    def body(x_ref, m0_ref, m1_ref, f_ref, w1_ref, w2_ref, wo_ref,
             xn_ref, h_ref, fo_ref):
        x = x_ref[...]
        m = m0_ref[0] + m0_ref[1] + m1_ref[0] + m1_ref[1]
        h = _dot(x + m, w1_ref[...], ((1,), (0,)))
        xn = x + _dot(_silu(h), w2_ref[...], ((1,), (0,)))
        xn_ref[...] = xn
        h_ref[...] = h
        fo_ref[...] = f_ref[...] + _dot(xn, wo_ref[...], ((1,), (0,)))

    nb = N // _BN
    pf = pl.BlockSpec((2, _BN, F), lambda i: (0, i, 0))
    return pl.pallas_call(
        body,
        grid=(nb,),
        in_specs=[pl.BlockSpec((_BN, F), lambda i: (i, 0)),
                  pf, pf,
                  pl.BlockSpec((_BN, F), lambda i: (i, 0)),
                  pl.BlockSpec((F, F), lambda i: (0, 0)),
                  pl.BlockSpec((F, F), lambda i: (0, 0)),
                  pl.BlockSpec((F, F), lambda i: (0, 0))],
        out_specs=[pl.BlockSpec((_BN, F), lambda i: (i, 0)),
                   pl.BlockSpec((_BN, F), lambda i: (i, 0)),
                   pl.BlockSpec((_BN, F), lambda i: (i, 0))],
        out_shape=[jax.ShapeDtypeStruct((N, F), jnp.float32)] * 3,
    )(x, m0, m1, f_in, w1, w2, wo)


def _bwd_node(h, w1, w2, wv, wread, dU_prev=None, scat0=None, scat1=None,
              g_prev=None, out_g=False):
    have_du = dU_prev is not None
    have_g = g_prev is not None

    def body(*refs):
        it = iter(refs)
        h_ref = next(it)
        w1_ref = next(it)
        w2_ref = next(it)
        wv_ref = next(it)
        wr_ref = next(it)
        du_ref = next(it) if have_du else None
        sc0_ref = next(it) if have_du else None
        sc1_ref = next(it) if have_du else None
        gp_ref = next(it) if have_g else None
        outs = list(it)
        v = _dot(wr_ref[...], wv_ref[...], ((1,), (1,)))
        g = jnp.broadcast_to(v, (_BN, F))
        if have_du:
            g = g + du_ref[...] + sc0_ref[0] + sc0_ref[1] \
                + sc1_ref[0] + sc1_ref[1]
        if have_g:
            g = g + gp_ref[...]
        dA = _dot(g, w2_ref[...], ((1,), (1,)))
        dU = _dot(dA * _silu_prime(h_ref[...]), w1_ref[...], ((1,), (1,)))
        if out_g:
            outs[0][...] = g
            outs[1][...] = dU
        else:
            outs[0][...] = dU

    nb = N // _BN
    nf = pl.BlockSpec((_BN, F), lambda i: (i, 0))
    ff = pl.BlockSpec((F, F), lambda i: (0, 0))
    pf = pl.BlockSpec((2, _BN, F), lambda i: (0, i, 0))
    in_specs = [nf, ff, ff, ff, pl.BlockSpec((1, F), lambda i: (0, 0))]
    args = [h, w1, w2, wv, wread.reshape(1, F)]
    if have_du:
        in_specs += [nf, pf, pf]
        args += [dU_prev, scat0, scat1]
    if have_g:
        in_specs += [nf]
        args += [g_prev]
    nout = 2 if out_g else 1
    out = pl.pallas_call(
        body,
        grid=(nb,),
        in_specs=in_specs,
        out_specs=[nf] * nout,
        out_shape=[jax.ShapeDtypeStruct((N, F), jnp.float32)] * nout,
    )(*args)
    return out if out_g else (None, out[0])


def _bwd_edge(dUe, xe, basT, wg, dBasT, off, xoff, with_pay):

    def body(du_ref, xe_ref, bas_ref, wg_ref, dbin_ref, dbout_ref, *pay_ref):
        du = du_ref[...]
        q = du * _f32(xe_ref[...])
        dbout_ref[...] = dbin_ref[...] + _dot(wg_ref[...], q, ((1,), (1,)))
        if with_pay:
            g = _dot(bas_ref[...], wg_ref[...], ((0,), (0,)))
            pay_ref[0][...] = du * g

    efo = pl.BlockSpec((_BE, F), lambda i: (i + off, 0))
    efx = pl.BlockSpec((_BE, F), lambda i: (i + xoff, 0))
    bso = pl.BlockSpec((32, _BE), lambda i: (0, i + off))
    bs = pl.BlockSpec((32, _BE), lambda i: (0, i))
    outs = [jax.ShapeDtypeStruct((32, _EH), jnp.float32)]
    out_specs = [bs]
    if with_pay:
        outs.append(jax.ShapeDtypeStruct((_EHP, F), jnp.float32))
        out_specs.append(pl.BlockSpec((_BE, F), lambda i: (i, 0)))
    return pl.pallas_call(
        body,
        grid=(_NHB,),
        in_specs=[efo, efx, bso, pl.BlockSpec((32, F), lambda i: (0, 0)), bs],
        out_specs=out_specs,
        out_shape=outs,
        input_output_aliases={4: 0},
    )(dUe, xe, basT, wg, dBasT)


def _force_pay(t2, geoT, dBasT, off):

    def body(ts_ref, td_ref, geo_ref, db_ref, out_ref):
        geo = geo_ref[...]
        db = db_ref[...]
        d, fc, fcp = geo[0], geo[1], geo[2]
        lu, l1u, urat, zz = geo[3], geo[4], geo[5], geo[6]
        acc = jnp.zeros_like(d)
        for k in range(K):
            bern = jnp.exp(_LOGBIN[k] + k * lu + (K - 1.0 - k) * l1u)
            bp = bern * (GAMMA * (-float(k) + (K - 1.0 - k) * urat))
            acc = acc + db[k] * (bp * fc + bern * fcp)
        dm = jnp.maximum(d, 1e-3)
        drep = 0.5 * zz * (-(d > 1e-3).astype(jnp.float32) / (dm * dm) * fc
                           + fcp / dm)
        coef = (acc + drep) / d
        rep = zz / dm * fc
        lane = lax.broadcasted_iota(jnp.int32, (1, 16), 1)
        m3 = (lane < 3).astype(jnp.float32)
        e3 = (lane == 3).astype(jnp.float32)
        dr = (td_ref[...] - ts_ref[...]) * m3
        fv = dr * coef[:, None]
        out_ref[0] = fv + rep[:, None] * e3
        out_ref[1] = -fv

    neb = E // _BE
    return pl.pallas_call(
        body,
        grid=(_NHB,),
        in_specs=[pl.BlockSpec((_BE, 16), lambda i: (i + off, 0)),
                  pl.BlockSpec((_BE, 16), lambda i: (i + neb + off, 0)),
                  pl.BlockSpec((8, _BE), lambda i: (0, i + off)),
                  pl.BlockSpec((32, _BE), lambda i: (0, i))],
        out_specs=pl.BlockSpec((2, _BE, 16), lambda i: (0, i, 0)),
        out_shape=jax.ShapeDtypeStruct((2, _EH, 16), jnp.float32),
    )(t2, t2, geoT, dBasT)


def _embed(emb_rows, charge, spin, q_vec, s_vec):
    bn = 1000
    nb = N // bn

    def body(e_ref, c_ref, s_ref, q_ref, sv_ref, out_ref):
        cs = c_ref[...][:, None] * q_ref[...][None, :] \
            + s_ref[...][:, None] * sv_ref[...][None, :]
        i = pl.program_id(0)
        jj = (lax.broadcasted_iota(jnp.int32, (bn, B), 0) + i * bn) // (N // B)
        ii = lax.broadcasted_iota(jnp.int32, (bn, B), 1)
        sel = (jj == ii).astype(jnp.float32)
        out_ref[...] = e_ref[...] + _dot(sel, cs, ((1,), (0,)))

    return pl.pallas_call(
        body,
        grid=(nb,),
        in_specs=[pl.BlockSpec((bn, F), lambda i: (i, 0)),
                  pl.BlockSpec((B,), lambda i: (0,)),
                  pl.BlockSpec((B,), lambda i: (0,)),
                  pl.BlockSpec((F,), lambda i: (0,)),
                  pl.BlockSpec((F,), lambda i: (0,))],
        out_specs=pl.BlockSpec((bn, F), lambda i: (i, 0)),
        out_shape=jax.ShapeDtypeStruct((N, F), jnp.float32),
    )(emb_rows, charge, spin, q_vec, s_vec)


def _readout(f, rep_atom, wread):

    def body(f_ref, r_ref, w_ref, out_ref):
        e = _dot(f_ref[...], w_ref[...], ((1,), (1,)))[:, 0] + 0.5 * r_ref[...]
        ii = lax.broadcasted_iota(jnp.int32, (B, N), 0)
        jj = lax.broadcasted_iota(jnp.int32, (B, N), 1) // (N // B)
        sel = (ii == jj).astype(jnp.float32)
        out_ref[...] = jnp.sum(sel * e[None, :], axis=1)

    return pl.pallas_call(
        body,
        grid=(1,),
        in_specs=[pl.BlockSpec((N, F), lambda i: (0, 0)),
                  pl.BlockSpec((N,), lambda i: (0,)),
                  pl.BlockSpec((1, F), lambda i: (0, 0))],
        out_specs=pl.BlockSpec((B,), lambda i: (0,)),
        out_shape=jax.ShapeDtypeStruct((B,), jnp.float32),
    )(f, rep_atom, wread.reshape(1, F))



def kernel(z, xyz, nbrs, charge, spin, num_atoms, emb_z, q_vec, s_vec, W_g, W1, W2, W_out, w_read):
    src = nbrs[:, 0]
    dst = nbrs[:, 1]
    validf = (src != dst).astype(jnp.float32)
    padv = jnp.full((_EHP - _EH,), N, jnp.int32)
    dsts_p = [jnp.concatenate([dst[i * _EH:(i + 1) * _EH], padv])
              for i in range(2)]
    srcs_p = [jnp.concatenate([src[i * _EH:(i + 1) * _EH], padv])
              for i in range(2)]

    grows = _GRP * _CHUNK
    npad = ((N + grows - 1) // grows) * grows
    zpad = jnp.concatenate([z, jnp.zeros((npad - N,), z.dtype)])
    emb_rows = _sc_gather(emb_z, zpad, F)[:N]
    x0 = _embed(emb_rows, charge, spin, q_vec, s_vec)

    tbl = jnp.concatenate(
        [xyz, _f32(z)[:, None], jnp.zeros((N, 12), jnp.float32)], axis=1)
    t2 = _sc_gather(tbl, jnp.concatenate([src, dst]), 16)
    geoT, basT = _edge_geom(t2, validf)

    wg_pad = [jnp.concatenate([W_g[t], jnp.zeros((32 - K, F), jnp.float32)],
                              axis=0) for t in range(NCONV)]

    hs = []
    xes = []
    f = jnp.zeros((N, F), jnp.float32)
    x = x0
    for t in range(NCONV):
        xe = [_sc_gather(x, src[i * _EH:(i + 1) * _EH], F) for i in range(2)]
        xes.append(xe)
        sc = [_sc_scatter_add(_msg(basT, xe[i], wg_pad[t], i * _NHB, 0),
                              dsts_p[i], N) for i in range(2)]
        x, h, f = _node(x, sc[0], sc[1], f, W1[t], W2[t], W_out[t])
        hs.append(h)

    dBasT = [jnp.zeros((32, _EH), jnp.float32) for _ in range(2)]

    def bwd_layer(dU, t, with_pay):
        dUe = _sc_gather(dU, dst, F)
        scat = [None, None]
        for i in range(2):
            out = _bwd_edge(dUe, xes[t][i], basT, wg_pad[t],
                            dBasT[i], i * _NHB, 0, with_pay)
            dBasT[i] = out[0]
            if with_pay:
                scat[i] = _sc_scatter_add(out[1], srcs_p[i], N)
        return scat

    _, dU = _bwd_node(hs[2], W1[2], W2[2], W_out[2], w_read)
    scat = bwd_layer(dU, 2, True)

    g2, dU1 = _bwd_node(hs[1], W1[1], W2[1], W_out[1] + W_out[2], w_read,
                        dU_prev=dU, scat0=scat[0], scat1=scat[1], out_g=True)
    scat = bwd_layer(dU1, 1, True)

    _, dU0 = _bwd_node(hs[0], W1[0], W2[0], W_out[0], w_read,
                       dU_prev=dU1, scat0=scat[0], scat1=scat[1], g_prev=g2)
    bwd_layer(dU0, 0, False)

    facc = [_sc_scatter_add(
        _force_pay(t2, geoT, dBasT[i], i * _NHB).reshape(2 * _EH, 16),
        jnp.concatenate([dst[i * _EH:(i + 1) * _EH],
                         src[i * _EH:(i + 1) * _EH]]), N) for i in range(2)]
    fsum = facc[0][0] + facc[0][1] + facc[1][0] + facc[1][1]
    forces = fsum[:, :3]

    energy = _readout(f, fsum[:, 3], w_read)
    return energy, forces

# --- scband reference (transcript-rebuilt; emitter-appended) ---
"""Pipeline reference for scband-spooky-net-82686710383073 (READ-ONLY COPY).

The authoritative reference and input builder live on the scoring server;
editing this copy changes nothing except your own understanding.
"""

import jax, jax.numpy as jnp
import numpy as np
from jax.scipy.special import gammaln

N = 10000
B = 100
E = 160000
F = 128
MAXZ = 87
K = 20
NCONV = 3
RCUT = 5.0
GAMMA = 0.5


def setup_inputs(seed: int = 0):
    key = jax.random.key(seed)
    ks = jax.random.split(key, 16)
    z = jax.random.randint(ks[0], (N,), 1, MAXZ)
    xyz = jax.random.normal(ks[1], (N, 3), dtype=jnp.float32) * 3.0
    nbrs = jax.random.randint(ks[2], (E, 2), 0, N)
    charge = jnp.zeros((B,), dtype=jnp.float32)
    spin = jnp.zeros((B,), dtype=jnp.float32)
    num_atoms = jnp.full((B,), N // B, dtype=jnp.int32)
    emb_z = jax.random.normal(ks[3], (MAXZ, F), dtype=jnp.float32) * 0.1
    q_vec = jax.random.normal(ks[4], (F,), dtype=jnp.float32) * 0.1
    s_vec = jax.random.normal(ks[5], (F,), dtype=jnp.float32) * 0.1
    W_g = jax.random.normal(ks[6], (NCONV, K, F), dtype=jnp.float32) * 0.1
    W1 = jax.random.normal(ks[7], (NCONV, F, F), dtype=jnp.float32) / np.sqrt(F)
    W2 = jax.random.normal(ks[8], (NCONV, F, F), dtype=jnp.float32) / np.sqrt(F)
    W_out = jax.random.normal(ks[9], (NCONV, F, F), dtype=jnp.float32) / np.sqrt(F)
    w_read = jax.random.normal(ks[10], (F,), dtype=jnp.float32) * 0.1
    return dict(z=z, xyz=xyz, nbrs=nbrs, charge=charge, spin=spin, num_atoms=num_atoms,
                emb_z=emb_z, q_vec=q_vec, s_vec=s_vec, W_g=W_g, W1=W1, W2=W2,
                W_out=W_out, w_read=w_read)


def _bernstein(d):
    # exponential Bernstein radial basis (SpookyNet style)
    u = jnp.exp(-GAMMA * d)
    k = jnp.arange(K, dtype=jnp.float32)
    logbin = gammaln(float(K)) - gammaln(k + 1.0) - gammaln(float(K) - k)
    lu = jnp.log(jnp.clip(u, 1e-10, 1.0))
    l1u = jnp.log(jnp.clip(1.0 - u, 1e-10, 1.0))
    return jnp.exp(logbin[None, :] + k[None, :] * lu[:, None] + (K - 1.0 - k)[None, :] * l1u[:, None])


def _energy(z, nbrs, charge, spin, mol_id, xyz, emb_z, q_vec, s_vec, W_g, W1, W2, W_out, w_read):
    src = nbrs[:, 0]
    dst = nbrs[:, 1]
    # CombinedEmbedding: nuclear embedding + charge/spin conditioning per molecule
    x = jnp.take(emb_z, z, axis=0) \
        + charge[mol_id][:, None] * q_vec[None, :] \
        + spin[mol_id][:, None] * s_vec[None, :]
    r = jnp.take(xyz, dst, axis=0) - jnp.take(xyz, src, axis=0)
    d = jnp.sqrt(jnp.sum(r * r, axis=-1) + 1e-12)
    valid = (src != dst).astype(jnp.float32)
    fc = jnp.where(d < RCUT, 0.5 * (jnp.cos(jnp.pi * d / RCUT) + 1.0), 0.0) * valid
    basis = _bernstein(d) * fc[:, None]
    f = jnp.zeros_like(x)
    for t in range(NCONV):
        # InteractionBlock: radial filter generation + gather/scatter message passing
        g = basis @ W_g[t]
        m = jax.ops.segment_sum(jnp.take(x, src, axis=0) * g, dst, num_segments=N)
        x = x + jax.nn.silu((x + m) @ W1[t]) @ W2[t]
        f = f + x @ W_out[t]
    # AtomwiseReadout: per-atom energy summed per molecule
    e_atom = f @ w_read
    energy = jax.ops.segment_sum(e_atom, mol_id, num_segments=B)
    # NuclearRepulsion: short-range ZiZj/d with cutoff, per molecule (0.5 for directed edges)
    zf = z.astype(jnp.float32)
    rep = zf[src] * zf[dst] / jnp.maximum(d, 1e-3) * fc
    energy = energy + 0.5 * jax.ops.segment_sum(rep, jnp.take(mol_id, dst), num_segments=B)
    return energy


def reference(z, xyz, nbrs, charge, spin, num_atoms, emb_z, q_vec, s_vec, W_g, W1, W2, W_out, w_read):
    mol_id = jnp.repeat(jnp.arange(B), N // B)
    energy = _energy(z, nbrs, charge, spin, mol_id, xyz, emb_z, q_vec, s_vec, W_g, W1, W2, W_out, w_read)
    # grad_keys: energy_grad = dE/dxyz computed inside forward (as in the torch model)
    forces = jax.grad(lambda c: jnp.sum(_energy(z, nbrs, charge, spin, mol_id, c, emb_z, q_vec, s_vec, W_g, W1, W2, W_out, w_read)))(xyz)
    return energy, forces

if __name__ == "__main__":
    import jax
    _d = setup_inputs()
    print(jax.jit(kernel)(*tuple(_d.values())))

</pallas_src>

<mosaic_0001>
#map = affine_map<(d0, d1) -> (0, 0)>
module attributes {stable_mosaic.version = 14 : i64} {
  func.func @body(%arg0: i32, %arg1: i32, %arg2: memref<87x128xf32, #tpu.memory_space<hbm>>, %arg3: memref<80x128xi32, #tpu.memory_space<hbm>>, %arg4: memref<10240x128xf32, #tpu.memory_space<hbm>>, %arg5: memref<5x128xi32, #tpu.memory_space<vmem>>, %arg6: memref<640x128xf32, #tpu.memory_space<vmem>>, %arg7: memref<!tpu.dma_semaphore, #tpu.memory_space<semaphore_mem>>, %arg8: memref<!tpu.dma_semaphore, #tpu.memory_space<semaphore_mem>>) attributes {dimension_semantics = [#tpu.dimension_semantics<core_parallel>, #tpu.dimension_semantics<subcore_parallel>], iteration_bounds = array<i64: 2, 16>, scalar_prefetch = 0 : i64, scratch_operands = 4 : i64, tpu.core_type = #tpu.core_type<sc_vector_subcore>, window_params = [{transform_indices = #map}, {transform_indices = #map}, {transform_indices = #map}]} {
    %mul3A = arith.constant 2 : i32
    %mul3A_0 = arith.muli %arg1, %mul3A : i32
    %add3A = arith.addi %mul3A_0, %arg0 : i32
    %scan3A = arith.constant 0 : i32
    %scan3A_1 = arith.constant 0 : i32
    %mul3A_2 = arith.constant 32 : i32
    %mul3A_3 = arith.muli %scan3A_1, %mul3A_2 : i32
    %add3A_4 = arith.addi %mul3A_3, %add3A : i32
    %lt3A = arith.constant 16 : i32
    %lt3A_5 = arith.cmpi slt, %add3A_4, %lt3A : i32
    %convert_element_type3A = arith.extui %lt3A_5 : i1 to i32
    %cond3A = arith.constant 0 : i32
    %cond3A_6 = arith.cmpi ne, %convert_element_type3A, %cond3A : i32
    scf.if %cond3A_6 {
      %mul3A_8 = arith.constant 5 : i32
      %mul3A_9 = arith.muli %add3A_4, %mul3A_8 : i32
      %add3A_10 = arith.constant 0 : i32
      %add3A_11 = arith.addi %mul3A_9, %add3A_10 : i32
      %dma_start3A = arith.constant 0 : i32
      %dma_start3A_12 = arith.constant 0 : i32
      %dma_start3A_13 = tpu.memref_slice %arg5[%dma_start3A, %dma_start3A_12] : memref<5x128xi32, #tpu.memory_space<vmem>> -> memref<1x128xi32, #tpu.memory_space<vmem>>
      %dma_start3A_14 = tpu.memref_squeeze %dma_start3A_13 : memref<1x128xi32, #tpu.memory_space<vmem>> -> memref<128xi32, #tpu.memory_space<vmem>>
      %dma_start3A_15 = arith.constant 0 : i32
      %dma_start3A_16 = tpu.memref_slice %arg3[%add3A_11, %dma_start3A_15] : memref<80x128xi32, #tpu.memory_space<hbm>> -> memref<1x128xi32, #tpu.memory_space<hbm>>
      %dma_start3A_17 = tpu.memref_squeeze %dma_start3A_16 : memref<1x128xi32, #tpu.memory_space<hbm>> -> memref<128xi32, #tpu.memory_space<hbm>>
      %dma_start3A_18 = arith.constant 0 : i32
      %dma_start3A_19 = tpu.memref_slice %arg5[%dma_start3A, %dma_start3A_18] : memref<5x128xi32, #tpu.memory_space<vmem>> -> memref<1x128xi32, #tpu.memory_space<vmem>>
      %dma_start3A_20 = tpu.memref_squeeze %dma_start3A_19 : memref<1x128xi32, #tpu.memory_space<vmem>> -> memref<128xi32, #tpu.memory_space<vmem>>
      %dma_start3A_21 = arith.constant 0 : i32
      %dma_start3A_22 = tpu.memref_slice %arg3[%add3A_11, %dma_start3A_21] : memref<80x128xi32, #tpu.memory_space<hbm>> -> memref<1x128xi32, #tpu.memory_space<hbm>>
      %dma_start3A_23 = tpu.memref_squeeze %dma_start3A_22 : memref<1x128xi32, #tpu.memory_space<hbm>> -> memref<128xi32, #tpu.memory_space<hbm>>
      tpu.enqueue_dma source(%dma_start3A_23 : memref<128xi32, #tpu.memory_space<hbm>>) target(%dma_start3A_20 : memref<128xi32, #tpu.memory_space<vmem>>) target_semaphore(%arg7 : memref<!tpu.dma_semaphore, #tpu.memory_space<semaphore_mem>>)
      %mul3A_24 = arith.constant 5 : i32
      %mul3A_25 = arith.muli %add3A_4, %mul3A_24 : i32
      %add3A_26 = arith.constant 1 : i32
      %add3A_27 = arith.addi %mul3A_25, %add3A_26 : i32
      %dma_start3A_28 = arith.constant 1 : i32
      %dma_start3A_29 = arith.constant 0 : i32
      %dma_start3A_30 = tpu.memref_slice %arg5[%dma_start3A_28, %dma_start3A_29] : memref<5x128xi32, #tpu.memory_space<vmem>> -> memref<1x128xi32, #tpu.memory_space<vmem>>
      %dma_start3A_31 = tpu.memref_squeeze %dma_start3A_30 : memref<1x128xi32, #tpu.memory_space<vmem>> -> memref<128xi32, #tpu.memory_space<vmem>>
      %dma_start3A_32 = arith.constant 0 : i32
      %dma_start3A_33 = tpu.memref_slice %arg3[%add3A_27, %dma_start3A_32] : memref<80x128xi32, #tpu.memory_space<hbm>> -> memref<1x128xi32, #tpu.memory_space<hbm>>
      %dma_start3A_34 = tpu.memref_squeeze %dma_start3A_33 : memref<1x128xi32, #tpu.memory_space<hbm>> -> memref<128xi32, #tpu.memory_space<hbm>>
      %dma_start3A_35 = arith.constant 0 : i32
      %dma_start3A_36 = tpu.memref_slice %arg5[%dma_start3A_28, %dma_start3A_35] : memref<5x128xi32, #tpu.memory_space<vmem>> -> memref<1x128xi32, #tpu.memory_space<vmem>>
      %dma_start3A_37 = tpu.memref_squeeze %dma_start3A_36 : memref<1x128xi32, #tpu.memory_space<vmem>> -> memref<128xi32, #tpu.memory_space<vmem>>
      %dma_start3A_38 = arith.constant 0 : i32
      %dma_start3A_39 = tpu.memref_slice %arg3[%add3A_27, %dma_start3A_38] : memref<80x128xi32, #tpu.memory_space<hbm>> -> memref<1x128xi32, #tpu.memory_space<hbm>>
      %dma_start3A_40 = tpu.memref_squeeze %dma_start3A_39 : memref<1x128xi32, #tpu.memory_space<hbm>> -> memref<128xi32, #tpu.memory_space<hbm>>
      tpu.enqueue_dma source(%dma_start3A_40 : memref<128xi32, #tpu.memory_space<hbm>>) target(%dma_start3A_37 : memref<128xi32, #tpu.memory_space<vmem>>) target_semaphore(%arg7 : memref<!tpu.dma_semaphore, #tpu.memory_space<semaphore_mem>>)
      %mul3A_41 = arith.constant 5 : i32
      %mul3A_42 = arith.muli %add3A_4, %mul3A_41 : i32
      %add3A_43 = arith.constant 2 : i32
      %add3A_44 = arith.addi %mul3A_42, %add3A_43 : i32
      %dma_start3A_45 = arith.constant 2 : i32
      %dma_start3A_46 = arith.constant 0 : i32
      %dma_start3A_47 = tpu.memref_slice %arg5[%dma_start3A_45, %dma_start3A_46] : memref<5x128xi32, #tpu.memory_space<vmem>> -> memref<1x128xi32, #tpu.memory_space<vmem>>
      %dma_start3A_48 = tpu.memref_squeeze %dma_start3A_47 : memref<1x128xi32, #tpu.memory_space<vmem>> -> memref<128xi32, #tpu.memory_space<vmem>>
      %dma_start3A_49 = arith.constant 0 : i32
      %dma_start3A_50 = tpu.memref_slice %arg3[%add3A_44, %dma_start3A_49] : memref<80x128xi32, #tpu.memory_space<hbm>> -> memref<1x128xi32, #tpu.memory_space<hbm>>
      %dma_start3A_51 = tpu.memref_squeeze %dma_start3A_50 : memref<1x128xi32, #tpu.memory_space<hbm>> -> memref<128xi32, #tpu.memory_space<hbm>>
      %dma_start3A_52 = arith.constant 0 : i32
      %dma_start3A_53 = tpu.memref_slice %arg5[%dma_start3A_45, %dma_start3A_52] : memref<5x128xi32, #tpu.memory_space<vmem>> -> memref<1x128xi32, #tpu.memory_space<vmem>>
      %dma_start3A_54 = tpu.memref_squeeze %dma_start3A_53 : memref<1x128xi32, #tpu.memory_space<vmem>> -> memref<128xi32, #tpu.memory_space<vmem>>
      %dma_start3A_55 = arith.constant 0 : i32
      %dma_start3A_56 = tpu.memref_slice %arg3[%add3A_44, %dma_start3A_55] : memref<80x128xi32, #tpu.memory_space<hbm>> -> memref<1x128xi32, #tpu.memory_space<hbm>>
      %dma_start3A_57 = tpu.memref_squeeze %dma_start3A_56 : memref<1x128xi32, #tpu.memory_space<hbm>> -> memref<128xi32, #tpu.memory_space<hbm>>
      tpu.enqueue_dma source(%dma_start3A_57 : memref<128xi32, #tpu.memory_space<hbm>>) target(%dma_start3A_54 : memref<128xi32, #tpu.memory_space<vmem>>) target_semaphore(%arg7 : memref<!tpu.dma_semaphore, #tpu.memory_space<semaphore_mem>>)
      %mul3A_58 = arith.constant 5 : i32
      %mul3A_59 = arith.muli %add3A_4, %mul3A_58 : i32
      %add3A_60 = arith.constant 3 : i32
      %add3A_61 = arith.addi %mul3A_59, %add3A_60 : i32
      %dma_start3A_62 = arith.constant 3 : i32
      %dma_start3A_63 = arith.constant 0 : i32
      %dma_start3A_64 = tpu.memref_slice %arg5[%dma_start3A_62, %dma_start3A_63] : memref<5x128xi32, #tpu.memory_space<vmem>> -> memref<1x128xi32, #tpu.memory_space<vmem>>
      %dma_start3A_65 = tpu.memref_squeeze %dma_start3A_64 : memref<1x128xi32, #tpu.memory_space<vmem>> -> memref<128xi32, #tpu.memory_space<vmem>>
      %dma_start3A_66 = arith.constant 0 : i32
      %dma_start3A_67 = tpu.memref_slice %arg3[%add3A_61, %dma_start3A_66] : memref<80x128xi32, #tpu.memory_space<hbm>> -> memref<1x128xi32, #tpu.memory_space<hbm>>
      %dma_start3A_68 = tpu.memref_squeeze %dma_start3A_67 : memref<1x128xi32, #tpu.memory_space<hbm>> -> memref<128xi32, #tpu.memory_space<hbm>>
      %dma_start3A_69 = arith.constant 0 : i32
      %dma_start3A_70 = tpu.memref_slice %arg5[%dma_start3A_62, %dma_start3A_69] : memref<5x128xi32, #tpu.memory_space<vmem>> -> memref<1x128xi32, #tpu.memory_space<vmem>>
      %dma_start3A_71 = tpu.memref_squeeze %dma_start3A_70 : memref<1x128xi32, #tpu.memory_space<vmem>> -> memref<128xi32, #tpu.memory_space<vmem>>
      %dma_start3A_72 = arith.constant 0 : i32
      %dma_start3A_73 = tpu.memref_slice %arg3[%add3A_61, %dma_start3A_72] : memref<80x128xi32, #tpu.memory_space<hbm>> -> memref<1x128xi32, #tpu.memory_space<hbm>>
      %dma_start3A_74 = tpu.memref_squeeze %dma_start3A_73 : memref<1x128xi32, #tpu.memory_space<hbm>> -> memref<128xi32, #tpu.memory_space<hbm>>
      tpu.enqueue_dma source(%dma_start3A_74 : memref<128xi32, #tpu.memory_space<hbm>>) target(%dma_start3A_71 : memref<128xi32, #tpu.memory_space<vmem>>) target_semaphore(%arg7 : memref<!tpu.dma_semaphore, #tpu.memory_space<semaphore_mem>>)
      %mul3A_75 = arith.constant 5 : i32
      %mul3A_76 = arith.muli %add3A_4, %mul3A_75 : i32
      %add3A_77 = arith.constant 4 : i32
      %add3A_78 = arith.addi %mul3A_76, %add3A_77 : i32
      %dma_start3A_79 = arith.constant 4 : i32
      %dma_start3A_80 = arith.constant 0 : i32
      %dma_start3A_81 = tpu.memref_slice %arg5[%dma_start3A_79, %dma_start3A_80] : memref<5x128xi32, #tpu.memory_space<vmem>> -> memref<1x128xi32, #tpu.memory_space<vmem>>
      %dma_start3A_82 = tpu.memref_squeeze %dma_start3A_81 : memref<1x128xi32, #tpu.memory_space<vmem>> -> memref<128xi32, #tpu.memory_space<vmem>>
      %dma_start3A_83 = arith.constant 0 : i32
      %dma_start3A_84 = tpu.memref_slice %arg3[%add3A_78, %dma_start3A_83] : memref<80x128xi32, #tpu.memory_space<hbm>> -> memref<1x128xi32, #tpu.memory_space<hbm>>
      %dma_start3A_85 = tpu.memref_squeeze %dma_start3A_84 : memref<1x128xi32, #tpu.memory_space<hbm>> -> memref<128xi32, #tpu.memory_space<hbm>>
      %dma_start3A_86 = arith.constant 0 : i32
      %dma_start3A_87 = tpu.memref_slice %arg5[%dma_start3A_79, %dma_start3A_86] : memref<5x128xi32, #tpu.memory_space<vmem>> -> memref<1x128xi32, #tpu.memory_space<vmem>>
      %dma_start3A_88 = tpu.memref_squeeze %dma_start3A_87 : memref<1x128xi32, #tpu.memory_space<vmem>> -> memref<128xi32, #tpu.memory_space<vmem>>
      %dma_start3A_89 = arith.constant 0 : i32
      %dma_start3A_90 = tpu.memref_slice %arg3[%add3A_78, %dma_start3A_89] : memref<80x128xi32, #tpu.memory_space<hbm>> -> memref<1x128xi32, #tpu.memory_space<hbm>>
      %dma_start3A_91 = tpu.memref_squeeze %dma_start3A_90 : memref<1x128xi32, #tpu.memory_space<hbm>> -> memref<128xi32, #tpu.memory_space<hbm>>
      tpu.enqueue_dma source(%dma_start3A_91 : memref<128xi32, #tpu.memory_space<hbm>>) target(%dma_start3A_88 : memref<128xi32, #tpu.memory_space<vmem>>) target_semaphore(%arg7 : memref<!tpu.dma_semaphore, #tpu.memory_space<semaphore_mem>>)
      %dma_wait3A = arith.constant 0 : i32
      %dma_wait3A_92 = arith.constant 0 : i32
      %dma_wait3A_93 = tpu.memref_slice %arg5[%dma_wait3A, %dma_wait3A_92] : memref<5x128xi32, #tpu.memory_space<vmem>> -> memref<1x128xi32, #tpu.memory_space<vmem>>
      %dma_wait3A_94 = tpu.memref_squeeze %dma_wait3A_93 : memref<1x128xi32, #tpu.memory_space<vmem>> -> memref<128xi32, #tpu.memory_space<vmem>>
      %dma_wait3A_95 = arith.constant 0 : i32
      %dma_wait3A_96 = tpu.memref_slice %arg3[%add3A_11, %dma_wait3A_95] : memref<80x128xi32, #tpu.memory_space<hbm>> -> memref<1x128xi32, #tpu.memory_space<hbm>>
      %dma_wait3A_97 = tpu.memref_squeeze %dma_wait3A_96 : memref<1x128xi32, #tpu.memory_space<hbm>> -> memref<128xi32, #tpu.memory_space<hbm>>
      %dma_wait3A_98 = arith.constant 0 : i32
      %dma_wait3A_99 = tpu.memref_slice %arg5[%dma_wait3A, %dma_wait3A_98] : memref<5x128xi32, #tpu.memory_space<vmem>> -> memref<1x128xi32, #tpu.memory_space<vmem>>
      %dma_wait3A_100 = tpu.memref_squeeze %dma_wait3A_99 : memref<1x128xi32, #tpu.memory_space<vmem>> -> memref<128xi32, #tpu.memory_space<vmem>>
      %dma_wait3A_101 = arith.constant 0 : i32
      %dma_wait3A_102 = tpu.memref_slice %arg3[%add3A_11, %dma_wait3A_101] : memref<80x128xi32, #tpu.memory_space<hbm>> -> memref<1x128xi32, #tpu.memory_space<hbm>>
      %dma_wait3A_103 = tpu.memref_squeeze %dma_wait3A_102 : memref<1x128xi32, #tpu.memory_space<hbm>> -> memref<128xi32, #tpu.memory_space<hbm>>
      tpu.wait_dma2 semaphore(%arg7 : memref<!tpu.dma_semaphore, #tpu.memory_space<semaphore_mem>>) src(%dma_wait3A_103 : memref<128xi32, #tpu.memory_space<hbm>>) dst(%dma_wait3A_100 : memref<128xi32, #tpu.memory_space<vmem>>)
      %dma_wait3A_104 = arith.constant 1 : i32
      %dma_wait3A_105 = arith.constant 0 : i32
      %dma_wait3A_106 = tpu.memref_slice %arg5[%dma_wait3A_104, %dma_wait3A_105] : memref<5x128xi32, #tpu.memory_space<vmem>> -> memref<1x128xi32, #tpu.memory_space<vmem>>
      %dma_wait3A_107 = tpu.memref_squeeze %dma_wait3A_106 : memref<1x128xi32, #tpu.memory_space<vmem>> -> memref<128xi32, #tpu.memory_space<vmem>>
      %dma_wait3A_108 = arith.constant 0 : i32
      %dma_wait3A_109 = tpu.memref_slice %arg3[%add3A_27, %dma_wait3A_108] : memref<80x128xi32, #tpu.memory_space<hbm>> -> memref<1x128xi32, #tpu.memory_space<hbm>>
      %dma_wait3A_110 = tpu.memref_squeeze %dma_wait3A_109 : memref<1x128xi32, #tpu.memory_space<hbm>> -> memref<128xi32, #tpu.memory_space<hbm>>
      %dma_wait3A_111 = arith.constant 0 : i32
      %dma_wait3A_112 = tpu.memref_slice %arg5[%dma_wait3A_104, %dma_wait3A_111] : memref<5x128xi32, #tpu.memory_space<vmem>> -> memref<1x128xi32, #tpu.memory_space<vmem>>
      %dma_wait3A_113 = tpu.memref_squeeze %dma_wait3A_112 : memref<1x128xi32, #tpu.memory_space<vmem>> -> memref<128xi32, #tpu.memory_space<vmem>>
      %dma_wait3A_114 = arith.constant 0 : i32
      %dma_wait3A_115 = tpu.memref_slice %arg3[%add3A_27, %dma_wait3A_114] : memref<80x128xi32, #tpu.memory_space<hbm>> -> memref<1x128xi32, #tpu.memory_space<hbm>>
      %dma_wait3A_116 = tpu.memref_squeeze %dma_wait3A_115 : memref<1x128xi32, #tpu.memory_space<hbm>> -> memref<128xi32, #tpu.memory_space<hbm>>
      tpu.wait_dma2 semaphore(%arg7 : memref<!tpu.dma_semaphore, #tpu.memory_space<semaphore_mem>>) src(%dma_wait3A_116 : memref<128xi32, #tpu.memory_space<hbm>>) dst(%dma_wait3A_113 : memref<128xi32, #tpu.memory_space<vmem>>)
      %dma_wait3A_117 = arith.constant 2 : i32
      %dma_wait3A_118 = arith.constant 0 : i32
      %dma_wait3A_119 = tpu.memref_slice %arg5[%dma_wait3A_117, %dma_wait3A_118] : memref<5x128xi32, #tpu.memory_space<vmem>> -> memref<1x128xi32, #tpu.memory_space<vmem>>
      %dma_wait3A_120 = tpu.memref_squeeze %dma_wait3A_119 : memref<1x128xi32, #tpu.memory_space<vmem>> -> memref<128xi32, #tpu.memory_space<vmem>>
      %dma_wait3A_121 = arith.constant 0 : i32
      %dma_wait3A_122 = tpu.memref_slice %arg3[%add3A_44, %dma_wait3A_121] : memref<80x128xi32, #tpu.memory_space<hbm>> -> memref<1x128xi32, #tpu.memory_space<hbm>>
      %dma_wait3A_123 = tpu.memref_squeeze %dma_wait3A_122 : memref<1x128xi32, #tpu.memory_space<hbm>> -> memref<128xi32, #tpu.memory_space<hbm>>
      %dma_wait3A_124 = arith.constant 0 : i32
      %dma_wait3A_125 = tpu.memref_slice %arg5[%dma_wait3A_117, %dma_wait3A_124] : memref<5x128xi32, #tpu.memory_space<vmem>> -> memref<1x128xi32, #tpu.memory_space<vmem>>
      %dma_wait3A_126 = tpu.memref_squeeze %dma_wait3A_125 : memref<1x128xi32, #tpu.memory_space<vmem>> -> memref<128xi32, #tpu.memory_space<vmem>>
      %dma_wait3A_127 = arith.constant 0 : i32
      %dma_wait3A_128 = tpu.memref_slice %arg3[%add3A_44, %dma_wait3A_127] : memref<80x128xi32, #tpu.memory_space<hbm>> -> memref<1x128xi32, #tpu.memory_space<hbm>>
      %dma_wait3A_129 = tpu.memref_squeeze %dma_wait3A_128 : memref<1x128xi32, #tpu.memory_space<hbm>> -> memref<128xi32, #tpu.memory_space<hbm>>
      tpu.wait_dma2 semaphore(%arg7 : memref<!tpu.dma_semaphore, #tpu.memory_space<semaphore_mem>>) src(%dma_wait3A_129 : memref<128xi32, #tpu.memory_space<hbm>>) dst(%dma_wait3A_126 : memref<128xi32, #tpu.memory_space<vmem>>)
      %dma_wait3A_130 = arith.constant 3 : i32
      %dma_wait3A_131 = arith.constant 0 : i32
      %dma_wait3A_132 = tpu.memref_slice %arg5[%dma_wait3A_130, %dma_wait3A_131] : memref<5x128xi32, #tpu.memory_space<vmem>> -> memref<1x128xi32, #tpu.memory_space<vmem>>
      %dma_wait3A_133 = tpu.memref_squeeze %dma_wait3A_132 : memref<1x128xi32, #tpu.memory_space<vmem>> -> memref<128xi32, #tpu.memory_space<vmem>>
      %dma_wait3A_134 = arith.constant 0 : i32
      %dma_wait3A_135 = tpu.memref_slice %arg3[%add3A_61, %dma_wait3A_134] : memref<80x128xi32, #tpu.memory_space<hbm>> -> memref<1x128xi32, #tpu.memory_space<hbm>>
      %dma_wait3A_136 = tpu.memref_squeeze %dma_wait3A_135 : memref<1x128xi32, #tpu.memory_space<hbm>> -> memref<128xi32, #tpu.memory_space<hbm>>
      %dma_wait3A_137 = arith.constant 0 : i32
      %dma_wait3A_138 = tpu.memref_slice %arg5[%dma_wait3A_130, %dma_wait3A_137] : memref<5x128xi32, #tpu.memory_space<vmem>> -> memref<1x128xi32, #tpu.memory_space<vmem>>
      %dma_wait3A_139 = tpu.memref_squeeze %dma_wait3A_138 : memref<1x128xi32, #tpu.memory_space<vmem>> -> memref<128xi32, #tpu.memory_space<vmem>>
      %dma_wait3A_140 = arith.constant 0 : i32
      %dma_wait3A_141 = tpu.memref_slice %arg3[%add3A_61, %dma_wait3A_140] : memref<80x128xi32, #tpu.memory_space<hbm>> -> memref<1x128xi32, #tpu.memory_space<hbm>>
      %dma_wait3A_142 = tpu.memref_squeeze %dma_wait3A_141 : memref<1x128xi32, #tpu.memory_space<hbm>> -> memref<128xi32, #tpu.memory_space<hbm>>
      tpu.wait_dma2 semaphore(%arg7 : memref<!tpu.dma_semaphore, #tpu.memory_space<semaphore_mem>>) src(%dma_wait3A_142 : memref<128xi32, #tpu.memory_space<hbm>>) dst(%dma_wait3A_139 : memref<128xi32, #tpu.memory_space<vmem>>)
      %dma_wait3A_143 = arith.constant 4 : i32
      %dma_wait3A_144 = arith.constant 0 : i32
      %dma_wait3A_145 = tpu.memref_slice %arg5[%dma_wait3A_143, %dma_wait3A_144] : memref<5x128xi32, #tpu.memory_space<vmem>> -> memref<1x128xi32, #tpu.memory_space<vmem>>
      %dma_wait3A_146 = tpu.memref_squeeze %dma_wait3A_145 : memref<1x128xi32, #tpu.memory_space<vmem>> -> memref<128xi32, #tpu.memory_space<vmem>>
      %dma_wait3A_147 = arith.constant 0 : i32
      %dma_wait3A_148 = tpu.memref_slice %arg3[%add3A_78, %dma_wait3A_147] : memref<80x128xi32, #tpu.memory_space<hbm>> -> memref<1x128xi32, #tpu.memory_space<hbm>>
      %dma_wait3A_149 = tpu.memref_squeeze %dma_wait3A_148 : memref<1x128xi32, #tpu.memory_space<hbm>> -> memref<128xi32, #tpu.memory_space<hbm>>
      %dma_wait3A_150 = arith.constant 0 : i32
      %dma_wait3A_151 = tpu.memref_slice %arg5[%dma_wait3A_143, %dma_wait3A_150] : memref<5x128xi32, #tpu.memory_space<vmem>> -> memref<1x128xi32, #tpu.memory_space<vmem>>
      %dma_wait3A_152 = tpu.memref_squeeze %dma_wait3A_151 : memref<1x128xi32, #tpu.memory_space<vmem>> -> memref<128xi32, #tpu.memory_space<vmem>>
      %dma_wait3A_153 = arith.constant 0 : i32
      %dma_wait3A_154 = tpu.memref_slice %arg3[%add3A_78, %dma_wait3A_153] : memref<80x128xi32, #tpu.memory_space<hbm>> -> memref<1x128xi32, #tpu.memory_space<hbm>>
      %dma_wait3A_155 = tpu.memref_squeeze %dma_wait3A_154 : memref<1x128xi32, #tpu.memory_space<hbm>> -> memref<128xi32, #tpu.memory_space<hbm>>
      tpu.wait_dma2 semaphore(%arg7 : memref<!tpu.dma_semaphore, #tpu.memory_space<semaphore_mem>>) src(%dma_wait3A_155 : memref<128xi32, #tpu.memory_space<hbm>>) dst(%dma_wait3A_152 : memref<128xi32, #tpu.memory_space<vmem>>)
      %dma_start3A_156 = arith.constant 0 : i32
      %dma_start3A_157 = arith.constant 0 : i32
      %dma_start3A_158 = arith.constant 0 : i32
      %dma_start3A_159 = tpu.memref_slice %arg6[%dma_start3A_157, %dma_start3A_158] : memref<640x128xf32, #tpu.memory_space<vmem>> -> memref<128x128xf32, #tpu.memory_space<vmem>>
      %dma_start3A_160 = arith.constant 0 : i32
      %dma_start3A_161 = tpu.memref_slice %arg5[%dma_start3A_156, %dma_start3A_160] : memref<5x128xi32, #tpu.memory_space<vmem>> -> memref<1x128xi32, #tpu.memory_space<vmem>>
      %dma_start3A_162 = tpu.memref_squeeze %dma_start3A_161 : memref<1x128xi32, #tpu.memory_space<vmem>> -> memref<128xi32, #tpu.memory_space<vmem>>
      %dma_start3A_163 = arith.constant 0 : i32
      %dma_start3A_164 = arith.constant 0 : i32
      %dma_start3A_165 = tpu.memref_slice %arg2[%dma_start3A_163, %dma_start3A_164] : memref<87x128xf32, #tpu.memory_space<hbm>> -> memref<87x128xf32, #tpu.memory_space<hbm>>
      tpu.enqueue_indirect_dma source(%dma_start3A_165 : memref<87x128xf32, #tpu.memory_space<hbm>>) target(%dma_start3A_159 : memref<128x128xf32, #tpu.memory_space<vmem>>) offsets(%dma_start3A_162 : memref<128xi32, #tpu.memory_space<vmem>>) semaphore(%arg8 : memref<!tpu.dma_semaphore, #tpu.memory_space<semaphore_mem>>)
      %dma_start3A_166 = arith.constant 1 : i32
      %dma_start3A_167 = arith.constant 128 : i32
      %dma_start3A_168 = arith.constant 0 : i32
      %dma_start3A_169 = tpu.memref_slice %arg6[%dma_start3A_167, %dma_start3A_168] : memref<640x128xf32, #tpu.memory_space<vmem>> -> memref<128x128xf32, #tpu.memory_space<vmem>>
      %dma_start3A_170 = arith.constant 0 : i32
      %dma_start3A_171 = tpu.memref_slice %arg5[%dma_start3A_166, %dma_start3A_170] : memref<5x128xi32, #tpu.memory_space<vmem>> -> memref<1x128xi32, #tpu.memory_space<vmem>>
      %dma_start3A_172 = tpu.memref_squeeze %dma_start3A_171 : memref<1x128xi32, #tpu.memory_space<vmem>> -> memref<128xi32, #tpu.memory_space<vmem>>
      %dma_start3A_173 = arith.constant 0 : i32
      %dma_start3A_174 = arith.constant 0 : i32
      %dma_start3A_175 = tpu.memref_slice %arg2[%dma_start3A_173, %dma_start3A_174] : memref<87x128xf32, #tpu.memory_space<hbm>> -> memref<87x128xf32, #tpu.memory_space<hbm>>
      tpu.enqueue_indirect_dma source(%dma_start3A_175 : memref<87x128xf32, #tpu.memory_space<hbm>>) target(%dma_start3A_169 : memref<128x128xf32, #tpu.memory_space<vmem>>) offsets(%dma_start3A_172 : memref<128xi32, #tpu.memory_space<vmem>>) semaphore(%arg8 : memref<!tpu.dma_semaphore, #tpu.memory_space<semaphore_mem>>)
      %dma_start3A_176 = arith.constant 2 : i32
      %dma_start3A_177 = arith.constant 256 : i32
      %dma_start3A_178 = arith.constant 0 : i32
      %dma_start3A_179 = tpu.memref_slice %arg6[%dma_start3A_177, %dma_start3A_178] : memref<640x128xf32, #tpu.memory_space<vmem>> -> memref<128x128xf32, #tpu.memory_space<vmem>>
      %dma_start3A_180 = arith.constant 0 : i32
      %dma_start3A_181 = tpu.memref_slice %arg5[%dma_start3A_176, %dma_start3A_180] : memref<5x128xi32, #tpu.memory_space<vmem>> -> memref<1x128xi32, #tpu.memory_space<vmem>>
      %dma_start3A_182 = tpu.memref_squeeze %dma_start3A_181 : memref<1x128xi32, #tpu.memory_space<vmem>> -> memref<128xi32, #tpu.memory_space<vmem>>
      %dma_start3A_183 = arith.constant 0 : i32
      %dma_start3A_184 = arith.constant 0 : i32
      %dma_start3A_185 = tpu.memref_slice %arg2[%dma_start3A_183, %dma_start3A_184] : memref<87x128xf32, #tpu.memory_space<hbm>> -> memref<87x128xf32, #tpu.memory_space<hbm>>
      tpu.enqueue_indirect_dma source(%dma_start3A_185 : memref<87x128xf32, #tpu.memory_space<hbm>>) target(%dma_start3A_179 : memref<128x128xf32, #tpu.memory_space<vmem>>) offsets(%dma_start3A_182 : memref<128xi32, #tpu.memory_space<vmem>>) semaphore(%arg8 : memref<!tpu.dma_semaphore, #tpu.memory_space<semaphore_mem>>)
      %dma_start3A_186 = arith.constant 3 : i32
      %dma_start3A_187 = arith.constant 384 : i32
      %dma_start3A_188 = arith.constant 0 : i32
      %dma_start3A_189 = tpu.memref_slice %arg6[%dma_start3A_187, %dma_start3A_188] : memref<640x128xf32, #tpu.memory_space<vmem>> -> memref<128x128xf32, #tpu.memory_space<vmem>>
      %dma_start3A_190 = arith.constant 0 : i32
      %dma_start3A_191 = tpu.memref_slice %arg5[%dma_start3A_186, %dma_start3A_190] : memref<5x128xi32, #tpu.memory_space<vmem>> -> memref<1x128xi32, #tpu.memory_space<vmem>>
      %dma_start3A_192 = tpu.memref_squeeze %dma_start3A_191 : memref<1x128xi32, #tpu.memory_space<vmem>> -> memref<128xi32, #tpu.memory_space<vmem>>
      %dma_start3A_193 = arith.constant 0 : i32
      %dma_start3A_194 = arith.constant 0 : i32
      %dma_start3A_195 = tpu.memref_slice %arg2[%dma_start3A_193, %dma_start3A_194] : memref<87x128xf32, #tpu.memory_space<hbm>> -> memref<87x128xf32, #tpu.memory_space<hbm>>
      tpu.enqueue_indirect_dma source(%dma_start3A_195 : memref<87x128xf32, #tpu.memory_space<hbm>>) target(%dma_start3A_189 : memref<128x128xf32, #tpu.memory_space<vmem>>) offsets(%dma_start3A_192 : memref<128xi32, #tpu.memory_space<vmem>>) semaphore(%arg8 : memref<!tpu.dma_semaphore, #tpu.memory_space<semaphore_mem>>)
      %dma_start3A_196 = arith.constant 4 : i32
      %dma_start3A_197 = arith.constant 512 : i32
      %dma_start3A_198 = arith.constant 0 : i32
      %dma_start3A_199 = tpu.memref_slice %arg6[%dma_start3A_197, %dma_start3A_198] : memref<640x128xf32, #tpu.memory_space<vmem>> -> memref<128x128xf32, #tpu.memory_space<vmem>>
      %dma_start3A_200 = arith.constant 0 : i32
      %dma_start3A_201 = tpu.memref_slice %arg5[%dma_start3A_196, %dma_start3A_200] : memref<5x128xi32, #tpu.memory_space<vmem>> -> memref<1x128xi32, #tpu.memory_space<vmem>>
      %dma_start3A_202 = tpu.memref_squeeze %dma_start3A_201 : memref<1x128xi32, #tpu.memory_space<vmem>> -> memref<128xi32, #tpu.memory_space<vmem>>
      %dma_start3A_203 = arith.constant 0 : i32
      %dma_start3A_204 = arith.constant 0 : i32
      %dma_start3A_205 = tpu.memref_slice %arg2[%dma_start3A_203, %dma_start3A_204] : memref<87x128xf32, #tpu.memory_space<hbm>> -> memref<87x128xf32, #tpu.memory_space<hbm>>
      tpu.enqueue_indirect_dma source(%dma_start3A_205 : memref<87x128xf32, #tpu.memory_space<hbm>>) target(%dma_start3A_199 : memref<128x128xf32, #tpu.memory_space<vmem>>) offsets(%dma_start3A_202 : memref<128xi32, #tpu.memory_space<vmem>>) semaphore(%arg8 : memref<!tpu.dma_semaphore, #tpu.memory_space<semaphore_mem>>)
      %dma_wait3A_206 = arith.constant 0 : i32
      %dma_wait3A_207 = arith.constant 0 : i32
      %dma_wait3A_208 = arith.constant 0 : i32
      %dma_wait3A_209 = tpu.memref_slice %arg6[%dma_wait3A_207, %dma_wait3A_208] : memref<640x128xf32, #tpu.memory_space<vmem>> -> memref<128x128xf32, #tpu.memory_space<vmem>>
      %dma_wait3A_210 = arith.constant 0 : i32
      %dma_wait3A_211 = tpu.memref_slice %arg5[%dma_wait3A_206, %dma_wait3A_210] : memref<5x128xi32, #tpu.memory_space<vmem>> -> memref<1x128xi32, #tpu.memory_space<vmem>>
      %dma_wait3A_212 = tpu.memref_squeeze %dma_wait3A_211 : memref<1x128xi32, #tpu.memory_space<vmem>> -> memref<128xi32, #tpu.memory_space<vmem>>
      %dma_wait3A_213 = arith.constant 0 : i32
      %dma_wait3A_214 = arith.constant 0 : i32
      %dma_wait3A_215 = tpu.memref_slice %arg2[%dma_wait3A_213, %dma_wait3A_214] : memref<87x128xf32, #tpu.memory_space<hbm>> -> memref<87x128xf32, #tpu.memory_space<hbm>>
      tpu.wait_indirect_dma semaphore(%arg8 : memref<!tpu.dma_semaphore, #tpu.memory_space<semaphore_mem>>) src(%dma_wait3A_215 : memref<87x128xf32, #tpu.memory_space<hbm>>) dst(%dma_wait3A_209 : memref<128x128xf32, #tpu.memory_space<vmem>>)
      %dma_wait3A_216 = arith.constant 1 : i32
      %dma_wait3A_217 = arith.constant 128 : i32
      %dma_wait3A_218 = arith.constant 0 : i32
      %dma_wait3A_219 = tpu.memref_slice %arg6[%dma_wait3A_217, %dma_wait3A_218] : memref<640x128xf32, #tpu.memory_space<vmem>> -> memref<128x128xf32, #tpu.memory_space<vmem>>
      %dma_wait3A_220 = arith.constant 0 : i32
      %dma_wait3A_221 = tpu.memref_slice %arg5[%dma_wait3A_216, %dma_wait3A_220] : memref<5x128xi32, #tpu.memory_space<vmem>> -> memref<1x128xi32, #tpu.memory_space<vmem>>
      %dma_wait3A_222 = tpu.memref_squeeze %dma_wait3A_221 : memref<1x128xi32, #tpu.memory_space<vmem>> -> memref<128xi32, #tpu.memory_space<vmem>>
      %dma_wait3A_223 = arith.constant 0 : i32
      %dma_wait3A_224 = arith.constant 0 : i32
      %dma_wait3A_225 = tpu.memref_slice %arg2[%dma_wait3A_223, %dma_wait3A_224] : memref<87x128xf32, #tpu.memory_space<hbm>> -> memref<87x128xf32, #tpu.memory_space<hbm>>
      tpu.wait_indirect_dma semaphore(%arg8 : memref<!tpu.dma_semaphore, #tpu.memory_space<semaphore_mem>>) src(%dma_wait3A_225 : memref<87x128xf32, #tpu.memory_space<hbm>>) dst(%dma_wait3A_219 : memref<128x128xf32, #tpu.memory_space<vmem>>)
      %dma_wait3A_226 = arith.constant 2 : i32
      %dma_wait3A_227 = arith.constant 256 : i32
      %dma_wait3A_228 = arith.constant 0 : i32
      %dma_wait3A_229 = tpu.memref_slice %arg6[%dma_wait3A_227, %dma_wait3A_228] : memref<640x128xf32, #tpu.memory_space<vmem>> -> memref<128x128xf32, #tpu.memory_space<vmem>>
      %dma_wait3A_230 = arith.constant 0 : i32
      %dma_wait3A_231 = tpu.memref_slice %arg5[%dma_wait3A_226, %dma_wait3A_230] : memref<5x128xi32, #tpu.memory_space<vmem>> -> memref<1x128xi32, #tpu.memory_space<vmem>>
      %dma_wait3A_232 = tpu.memref_squeeze %dma_wait3A_231 : memref<1x128xi32, #tpu.memory_space<vmem>> -> memref<128xi32, #tpu.memory_space<vmem>>
      %dma_wait3A_233 = arith.constant 0 : i32
      %dma_wait3A_234 = arith.constant 0 : i32
      %dma_wait3A_235 = tpu.memref_slice %arg2[%dma_wait3A_233, %dma_wait3A_234] : memref<87x128xf32, #tpu.memory_space<hbm>> -> memref<87x128xf32, #tpu.memory_space<hbm>>
      tpu.wait_indirect_dma semaphore(%arg8 : memref<!tpu.dma_semaphore, #tpu.memory_space<semaphore_mem>>) src(%dma_wait3A_235 : memref<87x128xf32, #tpu.memory_space<hbm>>) dst(%dma_wait3A_229 : memref<128x128xf32, #tpu.memory_space<vmem>>)
      %dma_wait3A_236 = arith.constant 3 : i32
      %dma_wait3A_237 = arith.constant 384 : i32
      %dma_wait3A_238 = arith.constant 0 : i32
      %dma_wait3A_239 = tpu.memref_slice %arg6[%dma_wait3A_237, %dma_wait3A_238] : memref<640x128xf32, #tpu.memory_space<vmem>> -> memref<128x128xf32, #tpu.memory_space<vmem>>
      %dma_wait3A_240 = arith.constant 0 : i32
      %dma_wait3A_241 = tpu.memref_slice %arg5[%dma_wait3A_236, %dma_wait3A_240] : memref<5x128xi32, #tpu.memory_space<vmem>> -> memref<1x128xi32, #tpu.memory_space<vmem>>
      %dma_wait3A_242 = tpu.memref_squeeze %dma_wait3A_241 : memref<1x128xi32, #tpu.memory_space<vmem>> -> memref<128xi32, #tpu.memory_space<vmem>>
      %dma_wait3A_243 = arith.constant 0 : i32
      %dma_wait3A_244 = arith.constant 0 : i32
      %dma_wait3A_245 = tpu.memref_slice %arg2[%dma_wait3A_243, %dma_wait3A_244] : memref<87x128xf32, #tpu.memory_space<hbm>> -> memref<87x128xf32, #tpu.memory_space<hbm>>
      tpu.wait_indirect_dma semaphore(%arg8 : memref<!tpu.dma_semaphore, #tpu.memory_space<semaphore_mem>>) src(%dma_wait3A_245 : memref<87x128xf32, #tpu.memory_space<hbm>>) dst(%dma_wait3A_239 : memref<128x128xf32, #tpu.memory_space<vmem>>)
      %dma_wait3A_246 = arith.constant 4 : i32
      %dma_wait3A_247 = arith.constant 512 : i32
      %dma_wait3A_248 = arith.constant 0 : i32
      %dma_wait3A_249 = tpu.memref_slice %arg6[%dma_wait3A_247, %dma_wait3A_248] : memref<640x128xf32, #tpu.memory_space<vmem>> -> memref<128x128xf32, #tpu.memory_space<vmem>>
      %dma_wait3A_250 = arith.constant 0 : i32
      %dma_wait3A_251 = tpu.memref_slice %arg5[%dma_wait3A_246, %dma_wait3A_250] : memref<5x128xi32, #tpu.memory_space<vmem>> -> memref<1x128xi32, #tpu.memory_space<vmem>>
      %dma_wait3A_252 = tpu.memref_squeeze %dma_wait3A_251 : memref<1x128xi32, #tpu.memory_space<vmem>> -> memref<128xi32, #tpu.memory_space<vmem>>
      %dma_wait3A_253 = arith.constant 0 : i32
      %dma_wait3A_254 = arith.constant 0 : i32
      %dma_wait3A_255 = tpu.memref_slice %arg2[%dma_wait3A_253, %dma_wait3A_254] : memref<87x128xf32, #tpu.memory_space<hbm>> -> memref<87x128xf32, #tpu.memory_space<hbm>>
      tpu.wait_indirect_dma semaphore(%arg8 : memref<!tpu.dma_semaphore, #tpu.memory_space<semaphore_mem>>) src(%dma_wait3A_255 : memref<87x128xf32, #tpu.memory_space<hbm>>) dst(%dma_wait3A_249 : memref<128x128xf32, #tpu.memory_space<vmem>>)
      %mul3A_256 = arith.constant 640 : i32
      %mul3A_257 = arith.muli %add3A_4, %mul3A_256 : i32
      "tpu.region"() ({
        %run_scoped3A = tpu.sem_alloc : memref<!tpu.dma_semaphore, #tpu.memory_space<semaphore_mem>>
        %dma_start3A_258 = arith.constant 0 : i32
        %dma_start3A_259 = tpu.memref_slice %arg4[%mul3A_257, %dma_start3A_258] : memref<10240x128xf32, #tpu.memory_space<hbm>> -> memref<640x128xf32, #tpu.memory_space<hbm>>
        %dma_start3A_260 = arith.constant 0 : i32
        %dma_start3A_261 = tpu.memref_slice %arg4[%mul3A_257, %dma_start3A_260] : memref<10240x128xf32, #tpu.memory_space<hbm>> -> memref<640x128xf32, #tpu.memory_space<hbm>>
        tpu.enqueue_dma source(%arg6 : memref<640x128xf32, #tpu.memory_space<vmem>>) target(%dma_start3A_261 : memref<640x128xf32, #tpu.memory_space<hbm>>) target_semaphore(%run_scoped3A : memref<!tpu.dma_semaphore, #tpu.memory_space<semaphore_mem>>)
        %dma_wait3A_262 = arith.constant 0 : i32
        %dma_wait3A_263 = tpu.memref_slice %arg4[%mul3A_257, %dma_wait3A_262] : memref<10240x128xf32, #tpu.memory_space<hbm>> -> memref<640x128xf32, #tpu.memory_space<hbm>>
        %dma_wait3A_264 = arith.constant 0 : i32
        %dma_wait3A_265 = tpu.memref_slice %arg4[%mul3A_257, %dma_wait3A_264] : memref<10240x128xf32, #tpu.memory_space<hbm>> -> memref<640x128xf32, #tpu.memory_space<hbm>>
        tpu.wait_dma2 semaphore(%run_scoped3A : memref<!tpu.dma_semaphore, #tpu.memory_space<semaphore_mem>>) src(%arg6 : memref<640x128xf32, #tpu.memory_space<vmem>>) dst(%dma_wait3A_265 : memref<640x128xf32, #tpu.memory_space<hbm>>)
        tpu.yield
      }) : () -> ()
    } else {
    }
    %scan3A_7 = arith.constant 1 : i32
    return
  }
}

</mosaic_0001>

<sc_bundles>
// kernel: _sc_gather.3.cloned.1.call-start
scs
__scs_entry_jumppad:
0x0: {  	(pc) =	sbr.rel $0x88, $3  }
0x1: {  	(tag) =	ssettag $0x0;
	lr =	simm.s32 $0x1  }
0x2: {  	[smem:$0x3F9F] =	sst lr;
	_ =	strace $0xD0000000  }
0x3: {  	_ = 	snop  }
0x4: {  	_ = 	snop  }
0x5: {  	_ = 	snop  }
0x6: {  	_ = 	snop  }
0x7: {  	_ = 	snop  }
__scs_overlays_trampoline_lowered:
0x8: {  	[smem:$0x3FAE] =	sst s0  }
0x9: {  	[smem:$0x3FAF] =	sst s1  }
0xa: {  	[smem:$0x3FB0] =	sst s2  }
0xb: {  	[smem:$0x3FB1] =	sst s3  }
0xc: {  	[smem:$0x3FB2] =	sst s4  }
0xd: {  	[smem:$0x3FB3] =	sst s5  }
0xe: {  	[smem:$0x3FB4] =	sst s6  }
0xf: {  	[smem:$0x3FB5] =	sst s7  }
0x10: {  	[smem:$0x3FB6] =	sst s8  }
0x11: {  	[smem:$0x3FB7] =	sst s9;
	s0 =	simm.s32 @!p0 $0x0  }
0x12: {  	s1 =	sld [smem:$0x3F9D];
	s0 =	simm.s32 @p0 $0x1  }
0x13: {  	[smem:$0x3FB8] =	sst s0;
	s0 =	simm.s32 @!p1 $0x0  }
0x14: {  	s2 =	sld [smem:$0x3F9C];
	s0 =	simm.s32 @p1 $0x1  }
0x15: {  	[smem:$0x3FB9] =	sst s0;
	s0 =	simm.s32 @!p2 $0x0  }
0x16: {  	s3 =	sld [smem:$0x3FDB];
	s0 =	simm.s32 @p2 $0x1  }
0x17: {  	s4 =	simm.s32 $0x1BF5;
	[smem:$0x3FBB] =	sst s0  }
0x18: {  	s0 =	sld [smem:$0x3F9E];
	_ =	swait.ge [sflag:s4], $0x0  }
0x19: {  	s7 =	sld [smem:$0x3F9F]  }
0x1a: {  	s8 =	sadd.s32 $0xFFFFE003, lr  }
0x1b: {  	s9 =	sadd.s32 $0xFFFFFEF7, lr;
	s5 =	simm.s32 $0xFFFFFFFF;
	p2 =	slt.u32 s8, $0xFFFFF086  }
0x1c: {  	p1 =	slt.u32 s9, $0xF7A;
	s5 =	simm.s32 @!p2 $0x0  }
0x1d: {  	s5 =	simm.s32 @p1 $0x1;
	p0 =	seq.s32 s7, s2  }
0x1e: {  	s7 =	smul.u32 @!p0 $0xF7A, s2;
	p2 =	seq.s32 @!p0 s5, $0x0  }
0x1f: {  	s9 =	smul.u32 $0xF7A, s1;
	s8 =	simm.s32 @!p0 $0x1BF5;
	p2 =	por !p2, p0  }
0x20: {  	[sflag:s8] =	ssyncset.s32 @!p0 $0xFFFFF086;
	s6 =	sadd.s32 @!p0 s3, s7;
	s7 =	simm.s32 @!p0 $0x108  }
0x21: {  	s3 =	sadd.s32 s3, s9;
	s6 =	sadd.s32 @!p0 $0x88, s6;
	s7 =	simm.s32 @p2 $0x1082  }
0x22: {  	[simem:s7], [sflag:s8] =	dma.local @!p0 [hbm:s6], $0xF7A  }
0x23: {  	s9 =	sor.u32 $0xD0000000, s2;
	s6 =	simm.s32 $0x108;
	_ =	swait.ge @!p0 [sflag:s8], $0x0  }
0x24: {  	s3 =	sadd.s32 $0x88, s3;
	s6 =	simm.s32 @!p1 $0x1082;
	[sflag:s4] =	ssyncset.s32 $0xFFFFF086  }
0x25: {  	[simem:s6], [sflag:s4] =	dma.local [hbm:s3], $0xF7A  }
0x26: {  	[smem:$0x3F9F] =	sst s1;
	(tag) =	ssettag s2;
	_ =	strace s9  }
0x27: {  	s1 =	sld [smem:$0x3FAF]  }
0x28: {  	s2 =	sld [smem:$0x3FB0]  }
0x29: {  	s4 =	sld [smem:$0x3FB2]  }
0x2a: {  	p0 =	seq.s32 s5, $0x0;
	s5 =	sld [smem:$0x3FB3]  }
0x2b: {  	s6 =	sld [smem:$0x3FB4]  }
0x2c: {  	s7 =	sld [smem:$0x3FB5]  }
0x2d: {  	s3 =	simm.s32 $0x108;
	s8 =	sld [smem:$0x3FB6]  }
0x2e: {  	s3 =	simm.s32 @!p0 $0x1082;
	s9 =	sld [smem:$0x3FB7]  }
0x2f: {  	lr =	sadd.s32 s0, s3;
	s0 =	sld [smem:$0x3FAE]  }
0x30: {  	s3 =	sld [smem:$0x3FB1]  }
0x31: {  	[smem:$0x3FBA] =	sst s10  }
0x32: {  	s10 =	sld [smem:$0x3FB8];
	_ =	sdelay $0x3  }
0x33: {  	p0 =	seq.s32 s10, $0x1;
	s10 =	sld [smem:$0x3FBA];
	_ =	sdelay $0x3  }
0x34: {  	[smem:$0x3FBA] =	sst s10  }
0x35: {  	s10 =	sld [smem:$0x3FB9];
	_ =	sdelay $0x3  }
0x36: {  	p1 =	seq.s32 s10, $0x1;
	s10 =	sld [smem:$0x3FBA];
	_ =	sdelay $0x3  }
0x37: {  	[smem:$0x3FBA] =	sst s10  }
0x38: {  	s10 =	sld [smem:$0x3FBB]  }
0x39: {  	_ = 	snop;
	(pc) =	sbr.ind lr, $3  }
0x3a: {  	_ = 	snop  }
0x3b: {  	_ = 	snop  }
0x3c: {  	p2 =	seq.s32 s10, $0x1;
	s10 =	sld [smem:$0x3FBA]  }
0x3d: {  	_ =	shalt  }
0x3e: {  	_ =	shalt  }
0x3f: {  	_ =	shalt  }
0x40: {  	_ =	shalt  }
0x41: {  	_ =	shalt  }
0x42: {  	_ =	shalt  }
0x43: {  	_ =	shalt  }
0x44: {  	_ =	shalt  }
0x45: {  	_ =	shalt  }
0x46: {  	_ =	shalt  }
0x47: {  	_ =	shalt  }
0x48: {  	_ =	shalt  }
0x49: {  	_ =	shalt  }
0x4a: {  	_ =	shalt  }
0x4b: {  	_ =	shalt  }
0x4c: {  	_ =	shalt  }
0x4d: {  	_ =	shalt  }
0x4e: {  	_ =	shalt  }
0x4f: {  	_ =	shalt  }
0x50: {  	_ =	shalt  }
0x51: {  	_ =	shalt  }
0x52: {  	_ =	shalt  }
0x53: {  	_ =	shalt  }
0x54: {  	_ =	shalt  }
0x55: {  	_ =	shalt  }
0x56: {  	_ =	shalt  }
0x57: {  	_ =	shalt  }
0x58: {  	_ =	shalt  }
0x59: {  	_ =	shalt  }
0x5a: {  	_ =	shalt  }
0x5b: {  	_ =	shalt  }
0x5c: {  	_ =	shalt  }
0x5d: {  	_ =	shalt  }
0x5e: {  	_ =	shalt  }
0x5f: {  	_ =	shalt  }
0x60: {  	_ =	shalt  }
0x61: {  	_ =	shalt  }
0x62: {  	_ =	shalt  }
0x63: {  	_ =	shalt  }
0x64: {  	_ =	shalt  }
0x65: {  	_ =	shalt  }
0x66: {  	_ =	shalt  }
0x67: {  	_ =	shalt  }
0x68: {  	_ =	shalt  }
0x69: {  	_ =	shalt  }
0x6a: {  	_ =	shalt  }
0x6b: {  	_ =	shalt  }
0x6c: {  	_ =	shalt  }
0x6d: {  	_ =	shalt  }
0x6e: {  	_ =	shalt  }
0x6f: {  	_ =	shalt  }
0x70: {  	_ =	shalt  }
0x71: {  	_ =	shalt  }
0x72: {  	_ =	shalt  }
0x73: {  	_ =	shalt  }
0x74: {  	_ =	shalt  }
0x75: {  	_ =	shalt  }
0x76: {  	_ =	shalt  }
0x77: {  	_ =	shalt  }
0x78: {  	_ =	shalt  }
0x79: {  	_ =	shalt  }
0x7a: {  	_ =	shalt  }
0x7b: {  	_ =	shalt  }
0x7c: {  	_ =	shalt  }
0x7d: {  	_ =	shalt  }
0x7e: {  	_ =	shalt  }
0x7f: {  	_ =	shalt  }
0x80: {  	_ =	shalt  }
0x81: {  	_ =	shalt  }
0x82: {  	_ =	shalt  }
0x83: {  	_ =	shalt  }
0x84: {  	_ =	shalt  }
0x85: {  	_ =	shalt  }
0x86: {  	_ =	shalt  }
0x87: {  	_ =	shalt  }
.Lfunc_end0:
.L_simem_size_0:
called_computation_lowered:
.L_overlay_start_0:
0x88: {  	s2 =	sld [smem:$0x3FD9]  }
0x89: {  	s3 =	sld [smem:$0x3FFE];
	_ =	sdelay $0x1  }
0x8a: {  	s1 =	srdreg.scid  }
0x8b: {  	s0 =	sand.u32 $0x1, s1  }
0x8c: {  	s18 =	sshll.u32 s0, $0xA;
	s2 =	sadd.s32 s3, s2  }
0x8d: {  	s2 =	sadd.s32 s2, s18  }
0x8e: {  	[smem:$0x3FC6] =	sst s2  }
0x8f: {  	_ = 	snop  }
0x90: {  	s2 =	sld [smem:$0x3FC9]  }
0x91: {  	s19 =	sld [smem:$0x3FC8]  }
0x92: {  	s4 =	sld [smem:$0x3FD0];
	(tm) =	ssettm $0x1  }
0x93: {  	s5 =	sld [smem:$0x3FFB];
	_ =	sdelay $0x3  }
0x94: {  	_ =	strace s5  }
0x95: {  	s5 =	sld [smem:$0x3FFC];
	_ =	sdelay $0x3  }
0x96: {  	_ =	strace s5  }
0x97: {  	s5 =	sld [smem:$0x3FFD];
	_ =	sdelay $0x3  }
0x98: {  	_ =	strace s5  }
0x99: {  	_ =	strace $0x8FFFFFFF  }
0x9a: {  	s20 =	sld [smem:$0x3FDB];
	_ =	sdelay $0x1  }
0x9b: {  	s6 =	simm.s32 $_scs_section_size  }
0x9c: {  	s7 =	simm.s32 $_size__tile_overlayer_lowered;
	s8 =	simm.s32 $_tile_overlayer_lowered  }
0x9d: {  	s23 =	simm.s32 $0x1BFF;
	s22 =	sshll.u32 s8, $0x1;
	s5 =	sadd.s32 s6, s20  }
0x9e: {  	s9 =	simm.s32 $0x0;
	s21 =	sshll.u32 s7, $0x1;
	s7 =	sadd.s32 s22, s5  }
0x9f: {  	[timem:s9], [sflag:s23] =	dma.local [hbm:s7], s21  }
0xa0: {  	_ =	swait.ge [sflag:s23], s21  }
0xa1: {  	s6 =	ssub.s32 $0x0, s21;
	[sflag:s23] =	ssyncset.done $0x0  }
0xa2: {  	[sflag:s23] =	ssyncadd.s32 s6;
	_ =	sdelay $0x1  }
0xa3: {  	s24 =	simm.s32 $0x1B8B  }
0xa4: {  	_ =	swait.ge [sflag:s24], $0x1  }
0xa5: {  	[sflag:s24] =	ssyncset.done $0x0  }
0xa6: {  	s25 =	simm.s32 $0x1B8E;
	[sflag:s24] =	ssyncadd.s32 $0xFFFFFFFF  }
0xa7: {  	s26 =	simm.s32 $execute0_lowered;
	[smem:$0x3FD2] =	sst s25  }
0xa8: {  	s6 =	sshll.u32 s26, $0x1;
	_ =	strace $0x80000046;
	[dreg:$0x1] =	wrdreg $0xFFFFFFFF  }
0xa9: {  	s28 =	simm.s32 $_size_execute0_lowered;
	s5 =	sadd.s32 s5, s6;
	[dreg:$0x0] =	wrdreg $0x0  }
0xaa: {  	s6 =	sshll.u32 s28, $0x1;
	[dreg:$0x2] =	wrdreg s5  }
0xab: {  	[dreg:$0x3] =	wrdreg s6  }
0xac: {  	[dreg:$0x4] =	wrdreg $0xC0  }
0xad: {  	_ =	task [dreg:s9], $0x5FFFF  }
0xae: {  	[dreg:$0x1] =	wrdreg $0xFFFFFFFF  }
0xaf: {  	[dreg:$0x0] =	wrdreg $0x60  }
0xb0: {  	[dreg:$0x2] =	wrdreg s2  }
0xb1: {  	[dreg:$0x3] =	wrdreg s19  }
0xb2: {  	[dreg:$0x4] =	wrdreg s4  }
0xb3: {  	[dreg:$0x5] =	wrdreg $0x9  }
0xb4: {  	_ =	task.clear_ibuf [dreg:s9], $0x6FFFF;
	_ =	strace $0x90000046  }
0xb5: {  	s29 =	simm.s32 $0x9;
	_ =	strace $0x80000048  }
0xb6: {  	_ =	swait.ge [sflag:s29], $0x1  }
0xb7: {  	[sflag:s29] =	ssyncadd.s32 $0xFFFFFFFF  }
0xb8: {  	_ =	strace $0x90000048  }
0xb9: {  	_ =	sfence  }
0xba: {  	s30 =	sld [smem:$0x0];
	_ =	sdelay $0x2  }
0xbb: {  	s31 =	sshll.u32 s1, $0xD;
	s1 =	sshrl.u32 s1, $0x2  }
0xbc: {  	s3 =	sand.u32 $0x4000, s31;
	s1 =	sadd.s32 s1, s30  }
0xbd: {  	s0 =	sor.u32 s3, s0;
	s1 =	sshll.u32 s1, $0x11  }
0xbe: {  	s0 =	sor.u32 s1, s0  }
0xbf: {  	s0 =	sadd.s32 $0x8F2B, s0  }
0xc0: {  	[sflag:s0] =	ssyncadd.remote.s32 $0x1  }
0xc1: {  	_ =	sfence.sel $0xFFFF  }
0xc2: {  	[dreg:$0x0] =	wrdreg $0xFFFFFFFF;
	(pc) =	sbr.abs _section_cstart, $3  }
0xc3: {  	[dreg:$0x1] =	wrdreg $0xFFFFFFFF  }
0xc4: {  	_ =	task.clear_ibuf [dreg:s9], $0x2FFFF;
	_ =	strace $0x9FFFFFFF  }
0xc5: {  	(tm) =	ssettm $0x7FFFFFFF  }
tec
execute0_lowered:
.L_overlay_start_1:
0x0: {  	(tag) =	ssettag $0x1  }
0x1: {  	s1 =	stileid.u32  }
0x2: {  	p0 =	sgt.u32 s1, $0x7  }
.Ltmp0:
0x3: {  	s2 =	rddreg [dreg:$0x0];
	(pc) =	sbr.rel @p0 .LBB2_4-.Ltmp0, $4  }
0x4: {  	s4 =	rddreg [dreg:$0x1]  }
0x5: {  	s20 =	rddreg [dreg:$0x2];
	s3 =	simm.s32 $0x0  }
0x6: {  	[smem:$0x7FF] =	sst s3  }
0x7: {  	s0 =	rddreg [dreg:$0x3];
	_ =	strace $0x80000047  }
0x8: {  	s5 =	srdreg.scid  }
0x9: {  	s30 =	sshll.u32 s1, $0x1;
	s21 =	sand.u32 $0x1, s5  }
0xa: {  	s22 =	sor.u32 s21, s30  }
0xb: {  	s5 =	smul.u32 $0x280, s22  }
0xc: {  	s6 =	smul.u32 $0x50, s22  }
0xd: {  	s5 =	sshrl.u32 s5, $0x3  }
0xe: {  	s11 =	sadd.s32 s4, s5;
	s4 =	sadd.s32 s4, s6  }
0xf: {  	[tilespmem:s3], [sflag:$0x1] =	stream.linear.gather [hbm4b:s4+s3], $0x80, $0x38;
	[tilespmem:$0x14400] =	vst v63  }
0x10: {  	s6 =	simm.s32 $0x80;
	s5 =	sadd.s32 $0x10, s11  }
0x11: {  	[tilespmem:s6], [sflag:$0x1] =	stream.linear.gather [hbm4b:s5+s3], $0x80, $0x38;
	[tilespmem:$0x14400] =	vst v63  }
0x12: {  	s8 =	simm.s32 $0x100;
	s7 =	sadd.s32 $0x20, s11  }
0x13: {  	[tilespmem:s8], [sflag:$0x1] =	stream.linear.gather [hbm4b:s7+s3], $0x80, $0x38;
	[tilespmem:$0x14400] =	vst v63  }
0x14: {  	s10 =	simm.s32 $0x180;
	s9 =	sadd.s32 $0x30, s11  }
0x15: {  	[tilespmem:s10], [sflag:$0x1] =	stream.linear.gather [hbm4b:s9+s3], $0x80, $0x38;
	[tilespmem:$0x14400] =	vst v63  }
0x16: {  	s12 =	simm.s32 $0x200;
	s13 =	simm.s32 $0x1;
	s11 =	sadd.s32 $0x40, s11  }
0x17: {  	[tilespmem:s12], [sflag:$0x1] =	stream.linear.gather [hbm4b:s11+s3], $0x80, $0x38;
	[tilespmem:$0x14400] =	vst v63  }
0x18: {  	_ =	swait.ge [sflag:s13], $0x80  }
0x19: {  	[sflag:s13] =	ssyncset.done $0x0  }
0x1a: {  	[sflag:s13] =	ssyncadd.s32 $0xFFFFFF80  }
0x1b: {  	_ =	swait.ge [sflag:s13], $0x80  }
0x1c: {  	[sflag:s13] =	ssyncset.done $0x0  }
0x1d: {  	[sflag:s13] =	ssyncadd.s32 $0xFFFFFF80  }
0x1e: {  	_ =	swait.ge [sflag:s13], $0x80  }
0x1f: {  	[sflag:s13] =	ssyncset.done $0x0  }
0x20: {  	[sflag:s13] =	ssyncadd.s32 $0xFFFFFF80  }
0x21: {  	_ =	swait.ge [sflag:s13], $0x80  }
0x22: {  	[sflag:s13] =	ssyncset.done $0x0  }
0x23: {  	[sflag:s13] =	ssyncadd.s32 $0xFFFFFF80  }
0x24: {  	_ =	swait.ge [sflag:s13], $0x80  }
0x25: {  	[sflag:s13] =	ssyncset.done $0x0  }
0x26: {  	s14 =	simm.s32 $0x400;
	[sflag:s13] =	ssyncadd.s32 $0xFFFFFF80  }
0x27: {  	[tilespmem:s14], [sflag:$0x2] =	stream.indirect.gather [hbm4b:s2+s6], $0x80, s3, s6, $0xb8;
	[tilespmem:$0x14400] =	vst v63  }
0x28: {  	s15 =	simm.s32 $0x4400  }
0x29: {  	[tilespmem:s15], [sflag:$0x2] =	stream.indirect.gather [hbm4b:s2+s6], $0x80, s6, s6, $0xb8;
	[tilespmem:$0x14400] =	vst v63  }
0x2a: {  	s16 =	simm.s32 $0x8400  }
0x2b: {  	[tilespmem:s16], [sflag:$0x2] =	stream.indirect.gather [hbm4b:s2+s6], $0x80, s8, s6, $0xb8;
	[tilespmem:$0x14400] =	vst v63  }
0x2c: {  	s17 =	simm.s32 $0xC400  }
0x2d: {  	[tilespmem:s17], [sflag:$0x2] =	stream.indirect.gather [hbm4b:s2+s6], $0x80, s10, s6, $0xb8;
	[tilespmem:$0x14400] =	vst v63  }
0x2e: {  	s18 =	simm.s32 $0x10400;
	s19 =	simm.s32 $0x2  }
0x2f: {  	[tilespmem:s18], [sflag:$0x2] =	stream.indirect.gather [hbm4b:s2+s6], $0x80, s12, s6, $0xb8;
	[tilespmem:$0x14400] =	vst v63  }
0x30: {  	_ =	swait.ge [sflag:s19], $0x4000  }
0x31: {  	[sflag:s19] =	ssyncset.done $0x0  }
0x32: {  	[sflag:s19] =	ssyncadd.s32 $0xFFFFC000  }
0x33: {  	_ =	swait.ge [sflag:s19], $0x4000  }
0x34: {  	[sflag:s19] =	ssyncset.done $0x0  }
0x35: {  	[sflag:s19] =	ssyncadd.s32 $0xFFFFC000  }
0x36: {  	_ =	swait.ge [sflag:s19], $0x4000  }
0x37: {  	[sflag:s19] =	ssyncset.done $0x0  }
0x38: {  	s21 =	ssub.s32 $0x2, s21;
	[sflag:s19] =	ssyncadd.s32 $0xFFFFC000  }
0x39: {  	s23 =	sshrl.u32 s21, $0x1;
	_ =	swait.ge [sflag:s19], $0x4000  }
0x3a: {  	s21 =	ssub.s32 s21, s23;
	[sflag:s19] =	ssyncset.done $0x0  }
0x3b: {  	s31 =	smax.u32 s21, $0x1;
	[sflag:s19] =	ssyncadd.s32 $0xFFFFC000  }
0x3c: {  	s22 =	smul.u32 $0x2800, s22;
	p0 =	sne.s32 s31, $0x1;
	_ =	swait.ge [sflag:s19], $0x4000  }
.Ltmp1:
0x3d: {  	[sflag:s19] =	ssyncset.done $0x0;
	(pc) =	sbr.rel @!p0 .LBB2_3-.Ltmp1, $4  }
0x3e: {  	s20 =	sadd.s32 s20, s22;
	s21 =	simm.s32 $0x3;
	[sflag:s19] =	ssyncadd.s32 $0xFFFFC000  }
0x3f: {  	[hbm4b:s20+s3] =	stream.linear.scatter [tilespmem:s14], [sflag:$0x3], $0x14000, $0x38;
	[tilespmem:$0x14400] =	vst v63  }
0x40: {  	_ =	swait.ge [sflag:s21], $0x14000  }
0x41: {  	s22 =	sadd.s32 $0xFFFFFFFF, s31;
	[sflag:s21] =	ssyncset.done $0x0  }
.LBB2_2:
0x42: {  	p0 =	sne.s32 s22, $0x1;
	s22 =	sadd.s32 $0xFFFFFFFF, s22;
	[sflag:s21] =	ssyncadd.s32 $0xFFFEC000  }
0x43: {  	[tilespmem:s3], [sflag:$0x1] =	stream.linear.gather [hbm4b:s4+s3], $0x80, $0x38;
	[tilespmem:$0x14400] =	vst v63  }
0x44: {  	_ = 	snop  }
0x45: {  	[tilespmem:s6], [sflag:$0x1] =	stream.linear.gather [hbm4b:s5+s3], $0x80, $0x38;
	[tilespmem:$0x14400] =	vst v63  }
0x46: {  	_ = 	snop  }
0x47: {  	[tilespmem:s8], [sflag:$0x1] =	stream.linear.gather [hbm4b:s7+s3], $0x80, $0x38;
	[tilespmem:$0x14400] =	vst v63  }
0x48: {  	_ = 	snop  }
0x49: {  	[tilespmem:s10], [sflag:$0x1] =	stream.linear.gather [hbm4b:s9+s3], $0x80, $0x38;
	[tilespmem:$0x14400] =	vst v63  }
0x4a: {  	_ = 	snop  }
0x4b: {  	[tilespmem:s12], [sflag:$0x1] =	stream.linear.gather [hbm4b:s11+s3], $0x80, $0x38;
	[tilespmem:$0x14400] =	vst v63  }
0x4c: {  	_ =	swait.ge [sflag:s13], $0x80  }
0x4d: {  	[sflag:s13] =	ssyncset.done $0x0  }
0x4e: {  	[sflag:s13] =	ssyncadd.s32 $0xFFFFFF80  }
0x4f: {  	_ =	swait.ge [sflag:s13], $0x80  }
0x50: {  	[sflag:s13] =	ssyncset.done $0x0  }
0x51: {  	[sflag:s13] =	ssyncadd.s32 $0xFFFFFF80  }
0x52: {  	_ =	swait.ge [sflag:s13], $0x80  }
0x53: {  	[sflag:s13] =	ssyncset.done $0x0  }
0x54: {  	[sflag:s13] =	ssyncadd.s32 $0xFFFFFF80  }
0x55: {  	_ =	swait.ge [sflag:s13], $0x80  }
0x56: {  	[sflag:s13] =	ssyncset.done $0x0  }
0x57: {  	[sflag:s13] =	ssyncadd.s32 $0xFFFFFF80  }
0x58: {  	_ =	swait.ge [sflag:s13], $0x80  }
0x59: {  	[sflag:s13] =	ssyncset.done $0x0  }
0x5a: {  	[sflag:s13] =	ssyncadd.s32 $0xFFFFFF80  }
0x5b: {  	[tilespmem:s14], [sflag:$0x2] =	stream.indirect.gather [hbm4b:s2+s6], $0x80, s3, s6, $0xb8;
	[tilespmem:$0x14400] =	vst v63  }
0x5c: {  	_ = 	snop  }
0x5d: {  	[tilespmem:s15], [sflag:$0x2] =	stream.indirect.gather [hbm4b:s2+s6], $0x80, s6, s6, $0xb8;
	[tilespmem:$0x14400] =	vst v63  }
0x5e: {  	_ = 	snop  }
0x5f: {  	[tilespmem:s16], [sflag:$0x2] =	stream.indirect.gather [hbm4b:s2+s6], $0x80, s8, s6, $0xb8;
	[tilespmem:$0x14400] =	vst v63  }
0x60: {  	_ = 	snop  }
0x61: {  	[tilespmem:s17], [sflag:$0x2] =	stream.indirect.gather [hbm4b:s2+s6], $0x80, s10, s6, $0xb8;
	[tilespmem:$0x14400] =	vst v63  }
0x62: {  	_ = 	snop  }
0x63: {  	[tilespmem:s18], [sflag:$0x2] =	stream.indirect.gather [hbm4b:s2+s6], $0x80, s12, s6, $0xb8;
	[tilespmem:$0x14400] =	vst v63  }
0x64: {  	_ =	swait.ge [sflag:s19], $0x4000  }
0x65: {  	[sflag:s19] =	ssyncset.done $0x0  }
0x66: {  	[sflag:s19] =	ssyncadd.s32 $0xFFFFC000  }
0x67: {  	_ =	swait.ge [sflag:s19], $0x4000  }
0x68: {  	[sflag:s19] =	ssyncset.done $0x0  }
0x69: {  	[sflag:s19] =	ssyncadd.s32 $0xFFFFC000  }
0x6a: {  	_ =	swait.ge [sflag:s19], $0x4000  }
0x6b: {  	[sflag:s19] =	ssyncset.done $0x0  }
0x6c: {  	[sflag:s19] =	ssyncadd.s32 $0xFFFFC000  }
0x6d: {  	_ =	swait.ge [sflag:s19], $0x4000  }
0x6e: {  	[sflag:s19] =	ssyncset.done $0x0  }
0x6f: {  	[sflag:s19] =	ssyncadd.s32 $0xFFFFC000  }
0x70: {  	_ =	swait.ge [sflag:s19], $0x4000  }
.Ltmp2:
0x71: {  	[sflag:s19] =	ssyncset.done $0x0;
	(pc) =	sbr.rel @p0 .LBB2_2-.Ltmp2, $4  }
0x72: {  	[sflag:s19] =	ssyncadd.s32 $0xFFFFC000  }
0x73: {  	[hbm4b:s20+s3] =	stream.linear.scatter [tilespmem:s14], [sflag:$0x3], $0x14000, $0x38;
	[tilespmem:$0x14400] =	vst v63  }
0x74: {  	_ =	swait.ge [sflag:s21], $0x14000  }
0x75: {  	[sflag:s21] =	ssyncset.done $0x0  }
.LBB2_3:
0x76: {  	[sflag:s21] =	ssyncadd.s32 $0xFFFEC000  }
.LBB2_4:
0x77: {  	_ =	sfence.sel $0x180000  }
0x78: {  	[bflag:$0x0] =	sbarrier.arrive $0xFFFF  }
0x79: {  	p0 =	sne.s32 s1, $0x0;
	_ =	strace $0x90000047  }
0x7a: {  	s0 =	sadd.s32 @!p0 $0x100000, s0;
	[bflag:$0x2] =	sbarrier.arrive $0xFFFF  }
0x7b: {  	[sflag:s0] =	ssyncadd.tile.s32 @!p0 $0x1;
	_ =	shalt  }
.Lfunc_end2:
_tile_overlayer_lowered:
.L_overlay_start_2:
0x7c: {  	(tag) =	ssettag $0x2  }
0x7d: {  	s0 =	rddreg [dreg:$0x0];
	s2 =	stileid.u32  }
0x7e: {  	s1 =	rddreg [dreg:$0x1];
	p0 =	sne.s32 s2, $0x0  }
0x7f: {  	s3 =	rddreg [dreg:$0x2];
	[bflag:$0x3] =	sbarrier.arrive $0xFFFF;
	s2 =	simm.s32 @!p0 $0x1C03  }
0x80: {  	[timem:s3], [sflag:s2] =	dma.local @!p0 [hbm:s0], s1  }
0x81: {  	s0 =	simm.s32 @!p0 $0x3  }
0x82: {  	_ =	swait.ge @!p0 [sflag:s0], s1  }
0x83: {  	s1 =	ssub.s32 @!p0 $0x0, s1;
	[sflag:s0] =	ssyncset.done @!p0 $0x0  }
0x84: {  	[sflag:s0] =	ssyncadd.s32 @!p0 s1  }
0x85: {  	[bflag:$0x3] =	sbarrier.arrive $0xFFFF  }
0x86: {  	_ =	shalt  }

</sc_bundles>
